<compile_context>
chip_gen: v7x
topology: tpu7x:2x2x1
jax: 0.10.2.dev20260603
libtpu: 0.0.44.dev20260713+nightly
codegen_flags: <defaults>
</compile_context>

<pallas_src>
import jax
import jax.numpy as jnp
from jax import lax
from jax.experimental import pallas as pl
from jax.experimental.pallas import tpu as pltpu
from jax.experimental.pallas import tpu_sc as plsc

_N = 10000
_E = 320000
_DF = 128
_DE = 16
_H = 128

_NC = 2
_NS = 16
_NW = _NC * _NS
_EPW = _E // _NW
_CH = 80
_NCHUNK = _EPW // _CH
_NPAD = 10240
_RPN = _NPAD // _NS

_BE = 3200

_PREC = lax.Precision.HIGHEST
_EPREC = lax.Precision.DEFAULT
_f32 = jnp.float32


def _tc_node_pre(nf, w1n, b1n, w2n, b2n, wb, wc, w2e, wa, b2e, b1p):
    def body(nf_r, w1n_r, b1n_r, w2n_r, b2n_r, wb_r, wc_r, w2e_r, wa_r,
             b2e_r, b1p_r, nfo_o, p0_o, p1_o, wfe_o, bfe_o):
        h = jnp.maximum(jnp.dot(nf_r[...], w1n_r[...], precision=_PREC) + b1n_r[...], 0.0)
        nfo = jnp.dot(h, w2n_r[...], precision=_PREC) + b2n_r[...]
        nfo_o[...] = nfo
        p0_o[...] = jnp.dot(nfo, wb_r[...], precision=_PREC)
        p1_o[...] = jnp.dot(nfo, wc_r[...], precision=_PREC)
        wfe_o[...] = jnp.dot(w2e_r[...], wa_r[...], precision=_PREC)
        bfe_o[...] = jnp.dot(b2e_r[...], wa_r[...], precision=_PREC) + b1p_r[...]

    return pl.pallas_call(
        body,
        out_shape=[
            jax.ShapeDtypeStruct((_N, _H), _f32),
            jax.ShapeDtypeStruct((_N, _H), _f32),
            jax.ShapeDtypeStruct((_N, _H), _f32),
            jax.ShapeDtypeStruct((_H, _H), _f32),
            jax.ShapeDtypeStruct((1, _H), _f32),
        ],
    )(nf, w1n, b1n, w2n, b2n, wb, wc, w2e, wa, b2e, b1p)


def _sc_gather(p0, p1, i0, i1):
    mesh = plsc.VectorSubcoreMesh(core_axis_name="c", subcore_axis_name="s")

    def gather_k(p0_hbm, p1_hbm, i0_hbm, i1_hbm, g_hbm,
                 i0_v, i1_v, r0_v, r1_v, sg0, sg1, sw0, sw1):
        wid = lax.axis_index("s") * _NC + lax.axis_index("c")
        base = wid * _EPW
        sg = (sg0, sg1)
        sw = (sw0, sw1)

        def load_idx(q, b):
            off = base + q * _CH
            pltpu.sync_copy(i0_hbm.at[pl.ds(off, _CH)], i0_v.at[b])
            pltpu.sync_copy(i1_hbm.at[pl.ds(off, _CH)], i1_v.at[b])

        def start_gather(b):
            pltpu.async_copy(p0_hbm.at[i0_v.at[b]], r0_v.at[b], sg[b])
            pltpu.async_copy(p1_hbm.at[i1_v.at[b]], r1_v.at[b], sg[b])

        def wait_gather(b):
            pltpu.make_async_copy(p0_hbm.at[i0_v.at[b]], r0_v.at[b], sg[b]).wait()
            pltpu.make_async_copy(p1_hbm.at[i1_v.at[b]], r1_v.at[b], sg[b]).wait()

        def add_rows(b):
            def row(rr, carry):
                for cc in range(_H // 16):
                    sl = pl.ds(cc * 16, 16)
                    r0_v[b, rr, sl] = r0_v[b, rr, sl] + r1_v[b, rr, sl]
                return carry
            lax.fori_loop(0, _CH, row, 0)

        def start_wb(q, b):
            off = base + q * _CH
            pltpu.async_copy(r0_v.at[b], g_hbm.at[pl.ds(off, _CH)], sw[b])

        def wait_wb(q, b):
            off = base + q * _CH
            pltpu.make_async_copy(r0_v.at[b], g_hbm.at[pl.ds(off, _CH)], sw[b]).wait()

        load_idx(0, 0)
        start_gather(0)

        def pair(k, carry):
            for b in (0, 1):
                q = 2 * k + b
                nb = 1 - b
                load_idx(q + 1, nb)
                if b == 0:
                    @pl.when(k >= 1)
                    def _():
                        wait_wb(q - 1, nb)
                else:
                    wait_wb(q - 1, nb)
                start_gather(nb)
                wait_gather(b)
                add_rows(b)
                start_wb(q, b)
            return carry

        lax.fori_loop(0, (_NCHUNK - 1) // 2, pair, 0)
        qlast = _NCHUNK - 1
        wait_gather(0)
        add_rows(0)
        start_wb(qlast, 0)
        wait_wb(qlast - 1, 1)
        wait_wb(qlast, 0)

    call = pl.kernel(
        gather_k,
        mesh=mesh,
        out_type=jax.ShapeDtypeStruct((_E, _H), _f32),
        scratch_types=[
            pltpu.VMEM((2, _CH), jnp.int32),
            pltpu.VMEM((2, _CH), jnp.int32),
            pltpu.VMEM((2, _CH, _H), _f32),
            pltpu.VMEM((2, _CH, _H), _f32),
            pltpu.SemaphoreType.DMA,
            pltpu.SemaphoreType.DMA,
            pltpu.SemaphoreType.DMA,
            pltpu.SemaphoreType.DMA,
        ],
    )
    return call(p0, p1, i0, i1)


def _tc_edge(ef, g, w1e, b1e, wfe, bfe, w2p, b2p):
    nblk = _E // _BE

    def body(ef_r, g_r, w1e_r, b1e_r, wfe_r, bfe_r, w2p_r, b2p_r, m_o):
        h = jnp.maximum(jnp.dot(ef_r[...], w1e_r[...], precision=_EPREC) + b1e_r[...], 0.0)
        z = jnp.maximum(
            jnp.dot(h, wfe_r[...], precision=_EPREC) + bfe_r[...] + g_r[...], 0.0)
        m_o[...] = jnp.dot(z, w2p_r[...], precision=_EPREC) + b2p_r[...]

    def full(shape):
        return pl.BlockSpec(shape, lambda i: (0, 0))

    return pl.pallas_call(
        body,
        grid=(nblk,),
        in_specs=[
            pl.BlockSpec((_BE, _DE), lambda i: (i, 0)),
            pl.BlockSpec((_BE, _H), lambda i: (i, 0)),
            full((_DE, _H)),
            full((1, _H)),
            full((_H, _H)),
            full((1, _H)),
            full((_H, _H)),
            full((1, _H)),
        ],
        out_specs=pl.BlockSpec((_BE, _H), lambda i: (i, 0)),
        out_shape=jax.ShapeDtypeStruct((_E, _H), _f32),
    )(ef, g, w1e, b1e, wfe, bfe, w2p, b2p)


def _sc_scatter(m, i0, zeros):
    mesh = plsc.VectorSubcoreMesh(core_axis_name="c", subcore_axis_name="s")

    def scatter_k(m_hbm, i0_hbm, z_hbm, out_hbm, i_v, r_v, acc_sh, sl0, sl1):
        c = lax.axis_index("c")
        s = lax.axis_index("s")
        sl = (sl0, sl1)
        pltpu.sync_copy(z_hbm, acc_sh.at[pl.ds(s * _RPN, _RPN)])
        plsc.subcore_barrier()

        base = (c * _NS + s) * _EPW

        def start_load(q, b):
            off = base + q * _CH
            pltpu.async_copy(m_hbm.at[pl.ds(off, _CH)], r_v.at[b], sl[b])
            pltpu.async_copy(i0_hbm.at[pl.ds(off, _CH)], i_v.at[b], sl[b])

        def wait_load(q, b):
            off = base + q * _CH
            pltpu.make_async_copy(m_hbm.at[pl.ds(off, _CH)], r_v.at[b], sl[b]).wait()
            pltpu.make_async_copy(i0_hbm.at[pl.ds(off, _CH)], i_v.at[b], sl[b]).wait()

        def scat(b):
            pltpu.sync_copy(r_v.at[b], acc_sh.at[i_v.at[b]], add=True)

        start_load(0, 0)

        def pair(k, carry):
            for b in (0, 1):
                q = 2 * k + b
                start_load(q + 1, 1 - b)
                wait_load(q, b)
                scat(b)
            return carry

        lax.fori_loop(0, (_NCHUNK - 1) // 2, pair, 0)
        wait_load(_NCHUNK - 1, 0)
        scat(0)
        plsc.subcore_barrier()
        pltpu.sync_copy(acc_sh.at[pl.ds(s * _RPN, _RPN)],
                        out_hbm.at[pl.ds(c * _NPAD + s * _RPN, _RPN)])

    call = pl.kernel(
        scatter_k,
        mesh=mesh,
        out_type=jax.ShapeDtypeStruct((_NC * _NPAD, _H), _f32),
        scratch_types=[
            pltpu.VMEM((2, _CH), jnp.int32),
            pltpu.VMEM((2, _CH, _H), _f32),
            pltpu.VMEM_SHARED((_NPAD, _H), _f32),
            pltpu.SemaphoreType.DMA,
            pltpu.SemaphoreType.DMA,
        ],
    )
    return call(m, i0, zeros)


def _tc_node_post(nf, nfo, a0, a1, wqa, wqb, b1q, w2q, b2q, w1d, b1d, w2d, b2d):
    def body(nf_r, nfo_r, a0_r, a1_r, wqa_r, wqb_r, b1q_r, w2q_r, b2q_r,
             w1d_r, b1d_r, w2d_r, b2d_r, out_o):
        agg = a0_r[...] + a1_r[...]
        u = jnp.maximum(
            jnp.dot(nfo_r[...], wqa_r[...], precision=_PREC)
            + jnp.dot(agg, wqb_r[...], precision=_PREC) + b1q_r[...], 0.0)
        u = jnp.dot(u, w2q_r[...], precision=_PREC) + b2q_r[...]
        v = jnp.maximum(jnp.dot(u, w1d_r[...], precision=_PREC) + b1d_r[...], 0.0)
        v = jnp.dot(v, w2d_r[...], precision=_PREC) + b2d_r[...]
        out_o[...] = nf_r[...] + v

    return pl.pallas_call(
        body,
        out_shape=jax.ShapeDtypeStruct((_N, _DF), _f32),
    )(nf, nfo, a0, a1, wqa, wqb, b1q, w2q, b2q, w1d, b1d, w2d, b2d)


def kernel(edges, node_features, edge_features, node_enc, edge_enc, edge_proc,
           node_proc, dec):
    e0 = edges[0, 0].astype(jnp.int32)
    e1 = edges[0, 1].astype(jnp.int32)
    nf = node_features[0]
    ef = edge_features[0]
    w1n, b1n, w2n, b2n = node_enc
    w1e, b1e, w2e, b2e = edge_enc
    w1p, b1p, w2p, b2p = edge_proc
    w1q, b1q, w2q, b2q = node_proc
    w1d, b1d, w2d, b2d = dec

    wa, wb, wc = w1p[:_H], w1p[_H:2 * _H], w1p[2 * _H:]
    wqa, wqb = w1q[:_H], w1q[_H:]

    def r(b):
        return b.reshape(1, -1)

    nfo, p0, p1, wfe, bfe = _tc_node_pre(
        nf, w1n, r(b1n), w2n, r(b2n), wb, wc, w2e, wa, r(b2e), r(b1p))
    g = _sc_gather(p0, p1, e0, e1)
    m = _tc_edge(ef, g, w1e, r(b1e), wfe, bfe, w2p, r(b2p))
    zeros = jnp.zeros((_RPN, _H), _f32)
    aggp = _sc_scatter(m, e0, zeros)
    out = _tc_node_post(
        nf, nfo, aggp[:_N], aggp[_NPAD:_NPAD + _N], wqa, wqb, r(b1q), w2q, r(b2q),
        w1d, r(b1d), w2d, r(b2d))
    return out[None]

# --- scband reference (transcript-rebuilt; emitter-appended) ---
"""Pipeline reference for scband-gnn-basic-9715216023966 (READ-ONLY COPY).

The authoritative reference and input builder live on the scoring server;
editing this copy changes nothing except your own understanding.
"""

import jax, jax.numpy as jnp
import numpy as np

N = 10000
E = 320000
DF = 128
DE = 16
H = 128


def _dense_params(key, fan_in, fan_out):
    lim = (6.0 / (fan_in + fan_out)) ** 0.5
    W = jax.random.uniform(key, (fan_in, fan_out), minval=-lim, maxval=lim, dtype=jnp.float32)
    b = jnp.zeros((fan_out,), dtype=jnp.float32)
    return [W, b]


def _net_params(key, structure):
    # build_net: Dense(structure[1]) + ReLU, hidden Dense+ReLU for structure[2:-1], final Dense(structure[-1])
    params = []
    keys = jax.random.split(key, len(structure) - 1)
    for i in range(len(structure) - 1):
        params.extend(_dense_params(keys[i], structure[i], structure[i + 1]))
    return params


def _mlp(x, params):
    n = len(params) // 2
    for i in range(n):
        W, b = params[2 * i], params[2 * i + 1]
        x = x @ W + b
        if i < n - 1:
            x = jax.nn.relu(x)
    return x


def setup_inputs(seed: int = 0) -> dict:
    key = jax.random.key(seed)
    ks = jax.random.split(key, 8)
    edges = jax.random.randint(ks[0], (1, 2, E), 0, N)
    node_features = jax.random.normal(ks[1], (1, N, DF), dtype=jnp.float32)
    edge_features = jax.random.normal(ks[2], (1, E, DE), dtype=jnp.float32)
    node_enc = _net_params(ks[3], [DF, H, H])
    edge_enc = _net_params(ks[4], [DE, H, H])
    edge_proc = _net_params(ks[5], [H + 2 * H, H, H])
    node_proc = _net_params(ks[6], [H + H, H, H])
    dec = _net_params(ks[7], [H, H, DF])
    return {
        "edges": edges,
        "node_features": node_features,
        "edge_features": edge_features,
        "node_enc": node_enc,
        "edge_enc": edge_enc,
        "edge_proc": edge_proc,
        "node_proc": node_proc,
        "dec": dec,
    }


def reference(edges, node_features, edge_features, node_enc, edge_enc, edge_proc, node_proc, dec):
    # normalizer is identity: normalize/unnormalize are no-ops
    def _unbatched(e, nf, ef):
        nfo = _mlp(nf, node_enc)                      # node encoder
        efl = _mlp(ef, edge_enc)                      # edge encoder
        n4e = nfo[e]                                  # gather: [2, E, H]
        n4e = jnp.transpose(n4e, (1, 0, 2)).reshape(e.shape[1], -1)  # [E, 2H]
        efl = _mlp(jnp.concatenate([efl, n4e], axis=1), edge_proc)   # edge processor
        agg = jax.ops.segment_sum(efl, e[0], num_segments=nf.shape[0])  # unsorted_segment_sum
        nfo = _mlp(jnp.concatenate([nfo, agg], axis=1), node_proc)   # node processor
        nfo = _mlp(nfo, dec)                          # decoder
        return nf + nfo                               # residual

    out = jax.vmap(_unbatched)(edges, node_features, edge_features)  # tf.map_fn over batch
    return out

if __name__ == "__main__":
    import jax
    _d = setup_inputs()
    print(jax.jit(kernel)(*tuple(_d.values())))

</pallas_src>

<mosaic_0001>
#map = affine_map<(d0, d1) -> (0, 0)>
#map1 = affine_map<(d0, d1) -> (0)>
module attributes {stable_mosaic.version = 14 : i64} {
  func.func @gather_k(%arg0: i32, %arg1: i32, %arg2: memref<10000x128xf32, #tpu.memory_space<hbm>>, %arg3: memref<10000x128xf32, #tpu.memory_space<hbm>>, %arg4: memref<320000xi32, #tpu.memory_space<hbm>>, %arg5: memref<320000xi32, #tpu.memory_space<hbm>>, %arg6: memref<320000x128xf32, #tpu.memory_space<hbm>>, %arg7: memref<2x80xi32, #tpu.memory_space<vmem>>, %arg8: memref<2x80xi32, #tpu.memory_space<vmem>>, %arg9: memref<2x80x128xf32, #tpu.memory_space<vmem>>, %arg10: memref<2x80x128xf32, #tpu.memory_space<vmem>>, %arg11: memref<!tpu.dma_semaphore, #tpu.memory_space<semaphore_mem>>, %arg12: memref<!tpu.dma_semaphore, #tpu.memory_space<semaphore_mem>>, %arg13: memref<!tpu.dma_semaphore, #tpu.memory_space<semaphore_mem>>, %arg14: memref<!tpu.dma_semaphore, #tpu.memory_space<semaphore_mem>>) attributes {dimension_semantics = [#tpu.dimension_semantics<core_parallel>, #tpu.dimension_semantics<subcore_parallel>], iteration_bounds = array<i64: 2, 16>, scalar_prefetch = 0 : i64, scratch_operands = 8 : i64, tpu.core_type = #tpu.core_type<sc_vector_subcore>, window_params = [{transform_indices = #map}, {transform_indices = #map}, {transform_indices = #map1}, {transform_indices = #map1}, {transform_indices = #map}]} {
    %mul3A = arith.constant 2 : i32
    %mul3A_0 = arith.muli %arg1, %mul3A : i32
    %add3A = arith.addi %mul3A_0, %arg0 : i32
    %mul3A_1 = arith.constant 10000 : i32
    %mul3A_2 = arith.muli %add3A, %mul3A_1 : i32
    %add3A_3 = arith.constant 0 : i32
    %add3A_4 = arith.addi %mul3A_2, %add3A_3 : i32
    %run_scoped3A = arith.constant 0 : i32
    "tpu.region"() ({
      %run_scoped3A_108 = tpu.sem_alloc : memref<!tpu.dma_semaphore, #tpu.memory_space<semaphore_mem>>
      %dma_start3A_109 = arith.constant 0 : i32
      %dma_start3A_110 = tpu.memref_slice %arg7[%run_scoped3A, %dma_start3A_109] : memref<2x80xi32, #tpu.memory_space<vmem>> -> memref<1x80xi32, #tpu.memory_space<vmem>>
      %dma_start3A_111 = tpu.memref_squeeze %dma_start3A_110 : memref<1x80xi32, #tpu.memory_space<vmem>> -> memref<80xi32, #tpu.memory_space<vmem>>
      %dma_start3A_112 = tpu.memref_slice %arg4[%add3A_4] : memref<320000xi32, #tpu.memory_space<hbm>> -> memref<80xi32, #tpu.memory_space<hbm>>
      %dma_start3A_113 = arith.constant 0 : i32
      %dma_start3A_114 = tpu.memref_slice %arg7[%run_scoped3A, %dma_start3A_113] : memref<2x80xi32, #tpu.memory_space<vmem>> -> memref<1x80xi32, #tpu.memory_space<vmem>>
      %dma_start3A_115 = tpu.memref_squeeze %dma_start3A_114 : memref<1x80xi32, #tpu.memory_space<vmem>> -> memref<80xi32, #tpu.memory_space<vmem>>
      %dma_start3A_116 = tpu.memref_slice %arg4[%add3A_4] : memref<320000xi32, #tpu.memory_space<hbm>> -> memref<80xi32, #tpu.memory_space<hbm>>
      tpu.enqueue_dma source(%dma_start3A_116 : memref<80xi32, #tpu.memory_space<hbm>>) target(%dma_start3A_115 : memref<80xi32, #tpu.memory_space<vmem>>) target_semaphore(%run_scoped3A_108 : memref<!tpu.dma_semaphore, #tpu.memory_space<semaphore_mem>>)
      %dma_wait3A_117 = arith.constant 0 : i32
      %dma_wait3A_118 = tpu.memref_slice %arg7[%run_scoped3A, %dma_wait3A_117] : memref<2x80xi32, #tpu.memory_space<vmem>> -> memref<1x80xi32, #tpu.memory_space<vmem>>
      %dma_wait3A_119 = tpu.memref_squeeze %dma_wait3A_118 : memref<1x80xi32, #tpu.memory_space<vmem>> -> memref<80xi32, #tpu.memory_space<vmem>>
      %dma_wait3A_120 = tpu.memref_slice %arg4[%add3A_4] : memref<320000xi32, #tpu.memory_space<hbm>> -> memref<80xi32, #tpu.memory_space<hbm>>
      %dma_wait3A_121 = arith.constant 0 : i32
      %dma_wait3A_122 = tpu.memref_slice %arg7[%run_scoped3A, %dma_wait3A_121] : memref<2x80xi32, #tpu.memory_space<vmem>> -> memref<1x80xi32, #tpu.memory_space<vmem>>
      %dma_wait3A_123 = tpu.memref_squeeze %dma_wait3A_122 : memref<1x80xi32, #tpu.memory_space<vmem>> -> memref<80xi32, #tpu.memory_space<vmem>>
      %dma_wait3A_124 = tpu.memref_slice %arg4[%add3A_4] : memref<320000xi32, #tpu.memory_space<hbm>> -> memref<80xi32, #tpu.memory_space<hbm>>
      tpu.wait_dma2 semaphore(%run_scoped3A_108 : memref<!tpu.dma_semaphore, #tpu.memory_space<semaphore_mem>>) src(%dma_wait3A_124 : memref<80xi32, #tpu.memory_space<hbm>>) dst(%dma_wait3A_123 : memref<80xi32, #tpu.memory_space<vmem>>)
      tpu.yield
    }) : () -> ()
    %run_scoped3A_5 = arith.constant 0 : i32
    "tpu.region"() ({
      %run_scoped3A_108 = tpu.sem_alloc : memref<!tpu.dma_semaphore, #tpu.memory_space<semaphore_mem>>
      %dma_start3A_109 = arith.constant 0 : i32
      %dma_start3A_110 = tpu.memref_slice %arg8[%run_scoped3A_5, %dma_start3A_109] : memref<2x80xi32, #tpu.memory_space<vmem>> -> memref<1x80xi32, #tpu.memory_space<vmem>>
      %dma_start3A_111 = tpu.memref_squeeze %dma_start3A_110 : memref<1x80xi32, #tpu.memory_space<vmem>> -> memref<80xi32, #tpu.memory_space<vmem>>
      %dma_start3A_112 = tpu.memref_slice %arg5[%add3A_4] : memref<320000xi32, #tpu.memory_space<hbm>> -> memref<80xi32, #tpu.memory_space<hbm>>
      %dma_start3A_113 = arith.constant 0 : i32
      %dma_start3A_114 = tpu.memref_slice %arg8[%run_scoped3A_5, %dma_start3A_113] : memref<2x80xi32, #tpu.memory_space<vmem>> -> memref<1x80xi32, #tpu.memory_space<vmem>>
      %dma_start3A_115 = tpu.memref_squeeze %dma_start3A_114 : memref<1x80xi32, #tpu.memory_space<vmem>> -> memref<80xi32, #tpu.memory_space<vmem>>
      %dma_start3A_116 = tpu.memref_slice %arg5[%add3A_4] : memref<320000xi32, #tpu.memory_space<hbm>> -> memref<80xi32, #tpu.memory_space<hbm>>
      tpu.enqueue_dma source(%dma_start3A_116 : memref<80xi32, #tpu.memory_space<hbm>>) target(%dma_start3A_115 : memref<80xi32, #tpu.memory_space<vmem>>) target_semaphore(%run_scoped3A_108 : memref<!tpu.dma_semaphore, #tpu.memory_space<semaphore_mem>>)
      %dma_wait3A_117 = arith.constant 0 : i32
      %dma_wait3A_118 = tpu.memref_slice %arg8[%run_scoped3A_5, %dma_wait3A_117] : memref<2x80xi32, #tpu.memory_space<vmem>> -> memref<1x80xi32, #tpu.memory_space<vmem>>
      %dma_wait3A_119 = tpu.memref_squeeze %dma_wait3A_118 : memref<1x80xi32, #tpu.memory_space<vmem>> -> memref<80xi32, #tpu.memory_space<vmem>>
      %dma_wait3A_120 = tpu.memref_slice %arg5[%add3A_4] : memref<320000xi32, #tpu.memory_space<hbm>> -> memref<80xi32, #tpu.memory_space<hbm>>
      %dma_wait3A_121 = arith.constant 0 : i32
      %dma_wait3A_122 = tpu.memref_slice %arg8[%run_scoped3A_5, %dma_wait3A_121] : memref<2x80xi32, #tpu.memory_space<vmem>> -> memref<1x80xi32, #tpu.memory_space<vmem>>
      %dma_wait3A_123 = tpu.memref_squeeze %dma_wait3A_122 : memref<1x80xi32, #tpu.memory_space<vmem>> -> memref<80xi32, #tpu.memory_space<vmem>>
      %dma_wait3A_124 = tpu.memref_slice %arg5[%add3A_4] : memref<320000xi32, #tpu.memory_space<hbm>> -> memref<80xi32, #tpu.memory_space<hbm>>
      tpu.wait_dma2 semaphore(%run_scoped3A_108 : memref<!tpu.dma_semaphore, #tpu.memory_space<semaphore_mem>>) src(%dma_wait3A_124 : memref<80xi32, #tpu.memory_space<hbm>>) dst(%dma_wait3A_123 : memref<80xi32, #tpu.memory_space<vmem>>)
      tpu.yield
    }) : () -> ()
    %dma_start3A = arith.constant 0 : i32
    %dma_start3A_6 = arith.constant 0 : i32
    %dma_start3A_7 = arith.constant 0 : i32
    %dma_start3A_8 = arith.constant 0 : i32
    %dma_start3A_9 = tpu.memref_slice %arg9[%dma_start3A_6, %dma_start3A_7, %dma_start3A_8] : memref<2x80x128xf32, #tpu.memory_space<vmem>> -> memref<1x80x128xf32, #tpu.memory_space<vmem>>
    %dma_start3A_10 = tpu.memref_squeeze %dma_start3A_9 : memref<1x80x128xf32, #tpu.memory_space<vmem>> -> memref<80x128xf32, #tpu.memory_space<vmem>>
    %dma_start3A_11 = arith.constant 0 : i32
    %dma_start3A_12 = tpu.memref_slice %arg7[%dma_start3A, %dma_start3A_11] : memref<2x80xi32, #tpu.memory_space<vmem>> -> memref<1x80xi32, #tpu.memory_space<vmem>>
    %dma_start3A_13 = tpu.memref_squeeze %dma_start3A_12 : memref<1x80xi32, #tpu.memory_space<vmem>> -> memref<80xi32, #tpu.memory_space<vmem>>
    %dma_start3A_14 = arith.constant 0 : i32
    %dma_start3A_15 = arith.constant 0 : i32
    %dma_start3A_16 = tpu.memref_slice %arg2[%dma_start3A_14, %dma_start3A_15] : memref<10000x128xf32, #tpu.memory_space<hbm>> -> memref<10000x128xf32, #tpu.memory_space<hbm>>
    tpu.enqueue_indirect_dma source(%dma_start3A_16 : memref<10000x128xf32, #tpu.memory_space<hbm>>) target(%dma_start3A_10 : memref<80x128xf32, #tpu.memory_space<vmem>>) offsets(%dma_start3A_13 : memref<80xi32, #tpu.memory_space<vmem>>) semaphore(%arg11 : memref<!tpu.dma_semaphore, #tpu.memory_space<semaphore_mem>>)
    %dma_start3A_17 = arith.constant 0 : i32
    %dma_start3A_18 = arith.constant 0 : i32
    %dma_start3A_19 = arith.constant 0 : i32
    %dma_start3A_20 = arith.constant 0 : i32
    %dma_start3A_21 = tpu.memref_slice %arg10[%dma_start3A_18, %dma_start3A_19, %dma_start3A_20] : memref<2x80x128xf32, #tpu.memory_space<vmem>> -> memref<1x80x128xf32, #tpu.memory_space<vmem>>
    %dma_start3A_22 = tpu.memref_squeeze %dma_start3A_21 : memref<1x80x128xf32, #tpu.memory_space<vmem>> -> memref<80x128xf32, #tpu.memory_space<vmem>>
    %dma_start3A_23 = arith.constant 0 : i32
    %dma_start3A_24 = tpu.memref_slice %arg8[%dma_start3A_17, %dma_start3A_23] : memref<2x80xi32, #tpu.memory_space<vmem>> -> memref<1x80xi32, #tpu.memory_space<vmem>>
    %dma_start3A_25 = tpu.memref_squeeze %dma_start3A_24 : memref<1x80xi32, #tpu.memory_space<vmem>> -> memref<80xi32, #tpu.memory_space<vmem>>
    %dma_start3A_26 = arith.constant 0 : i32
    %dma_start3A_27 = arith.constant 0 : i32
    %dma_start3A_28 = tpu.memref_slice %arg3[%dma_start3A_26, %dma_start3A_27] : memref<10000x128xf32, #tpu.memory_space<hbm>> -> memref<10000x128xf32, #tpu.memory_space<hbm>>
    tpu.enqueue_indirect_dma source(%dma_start3A_28 : memref<10000x128xf32, #tpu.memory_space<hbm>>) target(%dma_start3A_22 : memref<80x128xf32, #tpu.memory_space<vmem>>) offsets(%dma_start3A_25 : memref<80xi32, #tpu.memory_space<vmem>>) semaphore(%arg11 : memref<!tpu.dma_semaphore, #tpu.memory_space<semaphore_mem>>)
    %scan3A = arith.constant 0 : i32
    %scan3A_29 = arith.constant 0 : i32
    %scan3A_30 = arith.constant 62 : i32
    %scan3A_31 = arith.addi %scan3A_29, %scan3A_30 : i32
    %scan3A_32 = arith.constant 1 : i32
    scf.for %scan3A_108 = %scan3A_29 to %scan3A_31 step %scan3A_32  : i32 {
      %mul3A_109 = arith.constant 2 : i32
      %mul3A_110 = arith.muli %mul3A_109, %scan3A_108 : i32
      %add3A_111 = arith.constant 0 : i32
      %add3A_112 = arith.addi %mul3A_110, %add3A_111 : i32
      %add3A_113 = arith.constant 1 : i32
      %add3A_114 = arith.addi %add3A_112, %add3A_113 : i32
      %mul3A_115 = arith.constant 80 : i32
      %mul3A_116 = arith.muli %add3A_114, %mul3A_115 : i32
      %add3A_117 = arith.addi %mul3A_2, %mul3A_116 : i32
      %run_scoped3A_118 = arith.constant 1 : i32
      "tpu.region"() ({
        %run_scoped3A_290 = tpu.sem_alloc : memref<!tpu.dma_semaphore, #tpu.memory_space<semaphore_mem>>
        %dma_start3A_291 = arith.constant 0 : i32
        %dma_start3A_292 = tpu.memref_slice %arg7[%run_scoped3A_118, %dma_start3A_291] : memref<2x80xi32, #tpu.memory_space<vmem>> -> memref<1x80xi32, #tpu.memory_space<vmem>>
        %dma_start3A_293 = tpu.memref_squeeze %dma_start3A_292 : memref<1x80xi32, #tpu.memory_space<vmem>> -> memref<80xi32, #tpu.memory_space<vmem>>
        %dma_start3A_294 = tpu.memref_slice %arg4[%add3A_117] : memref<320000xi32, #tpu.memory_space<hbm>> -> memref<80xi32, #tpu.memory_space<hbm>>
        %dma_start3A_295 = arith.constant 0 : i32
        %dma_start3A_296 = tpu.memref_slice %arg7[%run_scoped3A_118, %dma_start3A_295] : memref<2x80xi32, #tpu.memory_space<vmem>> -> memref<1x80xi32, #tpu.memory_space<vmem>>
        %dma_start3A_297 = tpu.memref_squeeze %dma_start3A_296 : memref<1x80xi32, #tpu.memory_space<vmem>> -> memref<80xi32, #tpu.memory_space<vmem>>
        %dma_start3A_298 = tpu.memref_slice %arg4[%add3A_117] : memref<320000xi32, #tpu.memory_space<hbm>> -> memref<80xi32, #tpu.memory_space<hbm>>
        tpu.enqueue_dma source(%dma_start3A_298 : memref<80xi32, #tpu.memory_space<hbm>>) target(%dma_start3A_297 : memref<80xi32, #tpu.memory_space<vmem>>) target_semaphore(%run_scoped3A_290 : memref<!tpu.dma_semaphore, #tpu.memory_space<semaphore_mem>>)
        %dma_wait3A_299 = arith.constant 0 : i32
        %dma_wait3A_300 = tpu.memref_slice %arg7[%run_scoped3A_118, %dma_wait3A_299] : memref<2x80xi32, #tpu.memory_space<vmem>> -> memref<1x80xi32, #tpu.memory_space<vmem>>
        %dma_wait3A_301 = tpu.memref_squeeze %dma_wait3A_300 : memref<1x80xi32, #tpu.memory_space<vmem>> -> memref<80xi32, #tpu.memory_space<vmem>>
        %dma_wait3A_302 = tpu.memref_slice %arg4[%add3A_117] : memref<320000xi32, #tpu.memory_space<hbm>> -> memref<80xi32, #tpu.memory_space<hbm>>
        %dma_wait3A_303 = arith.constant 0 : i32
        %dma_wait3A_304 = tpu.memref_slice %arg7[%run_scoped3A_118, %dma_wait3A_303] : memref<2x80xi32, #tpu.memory_space<vmem>> -> memref<1x80xi32, #tpu.memory_space<vmem>>
        %dma_wait3A_305 = tpu.memref_squeeze %dma_wait3A_304 : memref<1x80xi32, #tpu.memory_space<vmem>> -> memref<80xi32, #tpu.memory_space<vmem>>
        %dma_wait3A_306 = tpu.memref_slice %arg4[%add3A_117] : memref<320000xi32, #tpu.memory_space<hbm>> -> memref<80xi32, #tpu.memory_space<hbm>>
        tpu.wait_dma2 semaphore(%run_scoped3A_290 : memref<!tpu.dma_semaphore, #tpu.memory_space<semaphore_mem>>) src(%dma_wait3A_306 : memref<80xi32, #tpu.memory_space<hbm>>) dst(%dma_wait3A_305 : memref<80xi32, #tpu.memory_space<vmem>>)
        tpu.yield
      }) : () -> ()
      %run_scoped3A_119 = arith.constant 1 : i32
      "tpu.region"() ({
        %run_scoped3A_290 = tpu.sem_alloc : memref<!tpu.dma_semaphore, #tpu.memory_space<semaphore_mem>>
        %dma_start3A_291 = arith.constant 0 : i32
        %dma_start3A_292 = tpu.memref_slice %arg8[%run_scoped3A_119, %dma_start3A_291] : memref<2x80xi32, #tpu.memory_space<vmem>> -> memref<1x80xi32, #tpu.memory_space<vmem>>
        %dma_start3A_293 = tpu.memref_squeeze %dma_start3A_292 : memref<1x80xi32, #tpu.memory_space<vmem>> -> memref<80xi32, #tpu.memory_space<vmem>>
        %dma_start3A_294 = tpu.memref_slice %arg5[%add3A_117] : memref<320000xi32, #tpu.memory_space<hbm>> -> memref<80xi32, #tpu.memory_space<hbm>>
        %dma_start3A_295 = arith.constant 0 : i32
        %dma_start3A_296 = tpu.memref_slice %arg8[%run_scoped3A_119, %dma_start3A_295] : memref<2x80xi32, #tpu.memory_space<vmem>> -> memref<1x80xi32, #tpu.memory_space<vmem>>
        %dma_start3A_297 = tpu.memref_squeeze %dma_start3A_296 : memref<1x80xi32, #tpu.memory_space<vmem>> -> memref<80xi32, #tpu.memory_space<vmem>>
        %dma_start3A_298 = tpu.memref_slice %arg5[%add3A_117] : memref<320000xi32, #tpu.memory_space<hbm>> -> memref<80xi32, #tpu.memory_space<hbm>>
        tpu.enqueue_dma source(%dma_start3A_298 : memref<80xi32, #tpu.memory_space<hbm>>) target(%dma_start3A_297 : memref<80xi32, #tpu.memory_space<vmem>>) target_semaphore(%run_scoped3A_290 : memref<!tpu.dma_semaphore, #tpu.memory_space<semaphore_mem>>)
        %dma_wait3A_299 = arith.constant 0 : i32
        %dma_wait3A_300 = tpu.memref_slice %arg8[%run_scoped3A_119, %dma_wait3A_299] : memref<2x80xi32, #tpu.memory_space<vmem>> -> memref<1x80xi32, #tpu.memory_space<vmem>>
        %dma_wait3A_301 = tpu.memref_squeeze %dma_wait3A_300 : memref<1x80xi32, #tpu.memory_space<vmem>> -> memref<80xi32, #tpu.memory_space<vmem>>
        %dma_wait3A_302 = tpu.memref_slice %arg5[%add3A_117] : memref<320000xi32, #tpu.memory_space<hbm>> -> memref<80xi32, #tpu.memory_space<hbm>>
        %dma_wait3A_303 = arith.constant 0 : i32
        %dma_wait3A_304 = tpu.memref_slice %arg8[%run_scoped3A_119, %dma_wait3A_303] : memref<2x80xi32, #tpu.memory_space<vmem>> -> memref<1x80xi32, #tpu.memory_space<vmem>>
        %dma_wait3A_305 = tpu.memref_squeeze %dma_wait3A_304 : memref<1x80xi32, #tpu.memory_space<vmem>> -> memref<80xi32, #tpu.memory_space<vmem>>
        %dma_wait3A_306 = tpu.memref_slice %arg5[%add3A_117] : memref<320000xi32, #tpu.memory_space<hbm>> -> memref<80xi32, #tpu.memory_space<hbm>>
        tpu.wait_dma2 semaphore(%run_scoped3A_290 : memref<!tpu.dma_semaphore, #tpu.memory_space<semaphore_mem>>) src(%dma_wait3A_306 : memref<80xi32, #tpu.memory_space<hbm>>) dst(%dma_wait3A_305 : memref<80xi32, #tpu.memory_space<vmem>>)
        tpu.yield
      }) : () -> ()
      %ge3A = arith.constant 1 : i32
      %ge3A_120 = arith.cmpi sge, %scan3A_108, %ge3A : i32
      %convert_element_type3A = arith.extui %ge3A_120 : i1 to i32
      %cond3A = arith.constant 0 : i32
      %cond3A_121 = arith.cmpi ne, %convert_element_type3A, %cond3A : i32
      scf.if %cond3A_121 {
        %sub3A_290 = arith.constant 1 : i32
        %sub3A_291 = arith.subi %add3A_112, %sub3A_290 : i32
        %mul3A_292 = arith.constant 80 : i32
        %mul3A_293 = arith.muli %sub3A_291, %mul3A_292 : i32
        %add3A_294 = arith.addi %mul3A_2, %mul3A_293 : i32
        %dma_wait3A_295 = arith.constant 1 : i32
        %dma_wait3A_296 = arith.constant 0 : i32
        %dma_wait3A_297 = arith.constant 0 : i32
        %dma_wait3A_298 = tpu.memref_slice %arg9[%dma_wait3A_295, %dma_wait3A_296, %dma_wait3A_297] : memref<2x80x128xf32, #tpu.memory_space<vmem>> -> memref<1x80x128xf32, #tpu.memory_space<vmem>>
        %dma_wait3A_299 = tpu.memref_squeeze %dma_wait3A_298 : memref<1x80x128xf32, #tpu.memory_space<vmem>> -> memref<80x128xf32, #tpu.memory_space<vmem>>
        %dma_wait3A_300 = arith.constant 0 : i32
        %dma_wait3A_301 = tpu.memref_slice %arg6[%add3A_294, %dma_wait3A_300] : memref<320000x128xf32, #tpu.memory_space<hbm>> -> memref<80x128xf32, #tpu.memory_space<hbm>>
        %dma_wait3A_302 = arith.constant 0 : i32
        %dma_wait3A_303 = tpu.memref_slice %arg6[%add3A_294, %dma_wait3A_302] : memref<320000x128xf32, #tpu.memory_space<hbm>> -> memref<80x128xf32, #tpu.memory_space<hbm>>
        %dma_wait3A_304 = arith.constant 0 : i32
        %dma_wait3A_305 = arith.constant 0 : i32
        %dma_wait3A_306 = tpu.memref_slice %arg9[%dma_wait3A_295, %dma_wait3A_304, %dma_wait3A_305] : memref<2x80x128xf32, #tpu.memory_space<vmem>> -> memref<1x80x128xf32, #tpu.memory_space<vmem>>
        %dma_wait3A_307 = tpu.memref_squeeze %dma_wait3A_306 : memref<1x80x128xf32, #tpu.memory_space<vmem>> -> memref<80x128xf32, #tpu.memory_space<vmem>>
        tpu.wait_dma2 semaphore(%arg14 : memref<!tpu.dma_semaphore, #tpu.memory_space<semaphore_mem>>) src(%dma_wait3A_307 : memref<80x128xf32, #tpu.memory_space<vmem>>) dst(%dma_wait3A_303 : memref<80x128xf32, #tpu.memory_space<hbm>>)
      } else {
      }
      %dma_start3A_122 = arith.constant 1 : i32
      %dma_start3A_123 = arith.constant 1 : i32
      %dma_start3A_124 = arith.constant 0 : i32
      %dma_start3A_125 = arith.constant 0 : i32
      %dma_start3A_126 = tpu.memref_slice %arg9[%dma_start3A_123, %dma_start3A_124, %dma_start3A_125] : memref<2x80x128xf32, #tpu.memory_space<vmem>> -> memref<1x80x128xf32, #tpu.memory_space<vmem>>
      %dma_start3A_127 = tpu.memref_squeeze %dma_start3A_126 : memref<1x80x128xf32, #tpu.memory_space<vmem>> -> memref<80x128xf32, #tpu.memory_space<vmem>>
      %dma_start3A_128 = arith.constant 0 : i32
      %dma_start3A_129 = tpu.memref_slice %arg7[%dma_start3A_122, %dma_start3A_128] : memref<2x80xi32, #tpu.memory_space<vmem>> -> memref<1x80xi32, #tpu.memory_space<vmem>>
      %dma_start3A_130 = tpu.memref_squeeze %dma_start3A_129 : memref<1x80xi32, #tpu.memory_space<vmem>> -> memref<80xi32, #tpu.memory_space<vmem>>
      %dma_start3A_131 = arith.constant 0 : i32
      %dma_start3A_132 = arith.constant 0 : i32
      %dma_start3A_133 = tpu.memref_slice %arg2[%dma_start3A_131, %dma_start3A_132] : memref<10000x128xf32, #tpu.memory_space<hbm>> -> memref<10000x128xf32, #tpu.memory_space<hbm>>
      tpu.enqueue_indirect_dma source(%dma_start3A_133 : memref<10000x128xf32, #tpu.memory_space<hbm>>) target(%dma_start3A_127 : memref<80x128xf32, #tpu.memory_space<vmem>>) offsets(%dma_start3A_130 : memref<80xi32, #tpu.memory_space<vmem>>) semaphore(%arg12 : memref<!tpu.dma_semaphore, #tpu.memory_space<semaphore_mem>>)
      %dma_start3A_134 = arith.constant 1 : i32
      %dma_start3A_135 = arith.constant 1 : i32
      %dma_start3A_136 = arith.constant 0 : i32
      %dma_start3A_137 = arith.constant 0 : i32
      %dma_start3A_138 = tpu.memref_slice %arg10[%dma_start3A_135, %dma_start3A_136, %dma_start3A_137] : memref<2x80x128xf32, #tpu.memory_space<vmem>> -> memref<1x80x128xf32, #tpu.memory_space<vmem>>
      %dma_start3A_139 = tpu.memref_squeeze %dma_start3A_138 : memref<1x80x128xf32, #tpu.memory_space<vmem>> -> memref<80x128xf32, #tpu.memory_space<vmem>>
      %dma_start3A_140 = arith.constant 0 : i32
      %dma_start3A_141 = tpu.memref_slice %arg8[%dma_start3A_134, %dma_start3A_140] : memref<2x80xi32, #tpu.memory_space<vmem>> -> memref<1x80xi32, #tpu.memory_space<vmem>>
      %dma_start3A_142 = tpu.memref_squeeze %dma_start3A_141 : memref<1x80xi32, #tpu.memory_space<vmem>> -> memref<80xi32, #tpu.memory_space<vmem>>
      %dma_start3A_143 = arith.constant 0 : i32
      %dma_start3A_144 = arith.constant 0 : i32
      %dma_start3A_145 = tpu.memref_slice %arg3[%dma_start3A_143, %dma_start3A_144] : memref<10000x128xf32, #tpu.memory_space<hbm>> -> memref<10000x128xf32, #tpu.memory_space<hbm>>
      tpu.enqueue_indirect_dma source(%dma_start3A_145 : memref<10000x128xf32, #tpu.memory_space<hbm>>) target(%dma_start3A_139 : memref<80x128xf32, #tpu.memory_space<vmem>>) offsets(%dma_start3A_142 : memref<80xi32, #tpu.memory_space<vmem>>) semaphore(%arg12 : memref<!tpu.dma_semaphore, #tpu.memory_space<semaphore_mem>>)
      %dma_wait3A_146 = arith.constant 0 : i32
      %dma_wait3A_147 = arith.constant 0 : i32
      %dma_wait3A_148 = arith.constant 0 : i32
      %dma_wait3A_149 = arith.constant 0 : i32
      %dma_wait3A_150 = tpu.memref_slice %arg9[%dma_wait3A_147, %dma_wait3A_148, %dma_wait3A_149] : memref<2x80x128xf32, #tpu.memory_space<vmem>> -> memref<1x80x128xf32, #tpu.memory_space<vmem>>
      %dma_wait3A_151 = tpu.memref_squeeze %dma_wait3A_150 : memref<1x80x128xf32, #tpu.memory_space<vmem>> -> memref<80x128xf32, #tpu.memory_space<vmem>>
      %dma_wait3A_152 = arith.constant 0 : i32
      %dma_wait3A_153 = tpu.memref_slice %arg7[%dma_wait3A_146, %dma_wait3A_152] : memref<2x80xi32, #tpu.memory_space<vmem>> -> memref<1x80xi32, #tpu.memory_space<vmem>>
      %dma_wait3A_154 = tpu.memref_squeeze %dma_wait3A_153 : memref<1x80xi32, #tpu.memory_space<vmem>> -> memref<80xi32, #tpu.memory_space<vmem>>
      %dma_wait3A_155 = arith.constant 0 : i32
      %dma_wait3A_156 = arith.constant 0 : i32
      %dma_wait3A_157 = tpu.memref_slice %arg2[%dma_wait3A_155, %dma_wait3A_156] : memref<10000x128xf32, #tpu.memory_space<hbm>> -> memref<10000x128xf32, #tpu.memory_space<hbm>>
      tpu.wait_indirect_dma semaphore(%arg11 : memref<!tpu.dma_semaphore, #tpu.memory_space<semaphore_mem>>) src(%dma_wait3A_157 : memref<10000x128xf32, #tpu.memory_space<hbm>>) dst(%dma_wait3A_151 : memref<80x128xf32, #tpu.memory_space<vmem>>)
      %dma_wait3A_158 = arith.constant 0 : i32
      %dma_wait3A_159 = arith.constant 0 : i32
      %dma_wait3A_160 = arith.constant 0 : i32
      %dma_wait3A_161 = arith.constant 0 : i32
      %dma_wait3A_162 = tpu.memref_slice %arg10[%dma_wait3A_159, %dma_wait3A_160, %dma_wait3A_161] : memref<2x80x128xf32, #tpu.memory_space<vmem>> -> memref<1x80x128xf32, #tpu.memory_space<vmem>>
      %dma_wait3A_163 = tpu.memref_squeeze %dma_wait3A_162 : memref<1x80x128xf32, #tpu.memory_space<vmem>> -> memref<80x128xf32, #tpu.memory_space<vmem>>
      %dma_wait3A_164 = arith.constant 0 : i32
      %dma_wait3A_165 = tpu.memref_slice %arg8[%dma_wait3A_158, %dma_wait3A_164] : memref<2x80xi32, #tpu.memory_space<vmem>> -> memref<1x80xi32, #tpu.memory_space<vmem>>
      %dma_wait3A_166 = tpu.memref_squeeze %dma_wait3A_165 : memref<1x80xi32, #tpu.memory_space<vmem>> -> memref<80xi32, #tpu.memory_space<vmem>>
      %dma_wait3A_167 = arith.constant 0 : i32
      %dma_wait3A_168 = arith.constant 0 : i32
      %dma_wait3A_169 = tpu.memref_slice %arg3[%dma_wait3A_167, %dma_wait3A_168] : memref<10000x128xf32, #tpu.memory_space<hbm>> -> memref<10000x128xf32, #tpu.memory_space<hbm>>
      tpu.wait_indirect_dma semaphore(%arg11 : memref<!tpu.dma_semaphore, #tpu.memory_space<semaphore_mem>>) src(%dma_wait3A_169 : memref<10000x128xf32, #tpu.memory_space<hbm>>) dst(%dma_wait3A_163 : memref<80x128xf32, #tpu.memory_space<vmem>>)
      %scan3A_170 = arith.constant 0 : i32
      %scan3A_171 = arith.constant 0 : i32
      %scan3A_172 = arith.constant 80 : i32
      %scan3A_173 = arith.addi %scan3A_171, %scan3A_172 : i32
      %scan3A_174 = arith.constant 1 : i32
      scf.for %scan3A_290 = %scan3A_171 to %scan3A_173 step %scan3A_174  : i32 {
        %get3A = arith.constant 0 : i32
        %get3A_291 = arith.index_cast %get3A : i32 to index
        %get3A_292 = arith.index_cast %scan3A_290 : i32 to index
        %get3A_293 = arith.constant 0 : index
        %get3A_294 = tpu.vector_load %arg9[%get3A_291, %get3A_292, %get3A_293] {strides = array<i32>} : memref<2x80x128xf32, #tpu.memory_space<vmem>>, vector<1x1x16xf32>,
        %get3A_295 = vector.shape_cast %get3A_294 : vector<1x1x16xf32> to vector<16xf32>
        %get3A_296 = arith.constant 0 : i32
        %get3A_297 = arith.index_cast %get3A_296 : i32 to index
        %get3A_298 = arith.index_cast %scan3A_290 : i32 to index
        %get3A_299 = arith.constant 0 : index
        %get3A_300 = tpu.vector_load %arg10[%get3A_297, %get3A_298, %get3A_299] {strides = array<i32>} : memref<2x80x128xf32, #tpu.memory_space<vmem>>, vector<1x1x16xf32>,
        %get3A_301 = vector.shape_cast %get3A_300 : vector<1x1x16xf32> to vector<16xf32>
        %add3A_302 = arith.addf %get3A_295, %get3A_301 : vector<16xf32>
        %swap3A = arith.constant 0 : i32
        %swap3A_303 = arith.index_cast %swap3A : i32 to index
        %swap3A_304 = arith.index_cast %scan3A_290 : i32 to index
        %swap3A_305 = arith.constant 0 : index
        %swap3A_306 = tpu.vector_load %arg9[%swap3A_303, %swap3A_304, %swap3A_305] {strides = array<i32>} : memref<2x80x128xf32, #tpu.memory_space<vmem>>, vector<1x1x16xf32>,
        %swap3A_307 = vector.shape_cast %swap3A_306 : vector<1x1x16xf32> to vector<16xf32>
        %swap3A_308 = vector.shape_cast %add3A_302 : vector<16xf32> to vector<1x1x16xf32>
        tpu.vector_store %arg9[%swap3A_303, %swap3A_304, %swap3A_305], %swap3A_308 {strides = array<i32>} : memref<2x80x128xf32, #tpu.memory_space<vmem>>, vector<1x1x16xf32>,
        %get3A_309 = arith.constant 0 : i32
        %get3A_310 = arith.index_cast %get3A_309 : i32 to index
        %get3A_311 = arith.index_cast %scan3A_290 : i32 to index
        %get3A_312 = arith.constant 16 : index
        %get3A_313 = tpu.vector_load %arg9[%get3A_310, %get3A_311, %get3A_312] {strides = array<i32>} : memref<2x80x128xf32, #tpu.memory_space<vmem>>, vector<1x1x16xf32>,
        %get3A_314 = vector.shape_cast %get3A_313 : vector<1x1x16xf32> to vector<16xf32>
        %get3A_315 = arith.constant 0 : i32
        %get3A_316 = arith.index_cast %get3A_315 : i32 to index
        %get3A_317 = arith.index_cast %scan3A_290 : i32 to index
        %get3A_318 = arith.constant 16 : index
        %get3A_319 = tpu.vector_load %arg10[%get3A_316, %get3A_317, %get3A_318] {strides = array<i32>} : memref<2x80x128xf32, #tpu.memory_space<vmem>>, vector<1x1x16xf32>,
        %get3A_320 = vector.shape_cast %get3A_319 : vector<1x1x16xf32> to vector<16xf32>
        %add3A_321 = arith.addf %get3A_314, %get3A_320 : vector<16xf32>
        %swap3A_322 = arith.constant 0 : i32
        %swap3A_323 = arith.index_cast %swap3A_322 : i32 to index
        %swap3A_324 = arith.index_cast %scan3A_290 : i32 to index
        %swap3A_325 = arith.constant 16 : index
        %swap3A_326 = tpu.vector_load %arg9[%swap3A_323, %swap3A_324, %swap3A_325] {strides = array<i32>} : memref<2x80x128xf32, #tpu.memory_space<vmem>>, vector<1x1x16xf32>,
        %swap3A_327 = vector.shape_cast %swap3A_326 : vector<1x1x16xf32> to vector<16xf32>
        %swap3A_328 = vector.shape_cast %add3A_321 : vector<16xf32> to vector<1x1x16xf32>
        tpu.vector_store %arg9[%swap3A_323, %swap3A_324, %swap3A_325], %swap3A_328 {strides = array<i32>} : memref<2x80x128xf32, #tpu.memory_space<vmem>>, vector<1x1x16xf32>,
        %get3A_329 = arith.constant 0 : i32
        %get3A_330 = arith.index_cast %get3A_329 : i32 to index
        %get3A_331 = arith.index_cast %scan3A_290 : i32 to index
        %get3A_332 = arith.constant 32 : index
        %get3A_333 = tpu.vector_load %arg9[%get3A_330, %get3A_331, %get3A_332] {strides = array<i32>} : memref<2x80x128xf32, #tpu.memory_space<vmem>>, vector<1x1x16xf32>,
        %get3A_334 = vector.shape_cast %get3A_333 : vector<1x1x16xf32> to vector<16xf32>
        %get3A_335 = arith.constant 0 : i32
        %get3A_336 = arith.index_cast %get3A_335 : i32 to index
        %get3A_337 = arith.index_cast %scan3A_290 : i32 to index
        %get3A_338 = arith.constant 32 : index
        %get3A_339 = tpu.vector_load %arg10[%get3A_336, %get3A_337, %get3A_338] {strides = array<i32>} : memref<2x80x128xf32, #tpu.memory_space<vmem>>, vector<1x1x16xf32>,
        %get3A_340 = vector.shape_cast %get3A_339 : vector<1x1x16xf32> to vector<16xf32>
        %add3A_341 = arith.addf %get3A_334, %get3A_340 : vector<16xf32>
        %swap3A_342 = arith.constant 0 : i32
        %swap3A_343 = arith.index_cast %swap3A_342 : i32 to index
        %swap3A_344 = arith.index_cast %scan3A_290 : i32 to index
        %swap3A_345 = arith.constant 32 : index
        %swap3A_346 = tpu.vector_load %arg9[%swap3A_343, %swap3A_344, %swap3A_345] {strides = array<i32>} : memref<2x80x128xf32, #tpu.memory_space<vmem>>, vector<1x1x16xf32>,
        %swap3A_347 = vector.shape_cast %swap3A_346 : vector<1x1x16xf32> to vector<16xf32>
        %swap3A_348 = vector.shape_cast %add3A_341 : vector<16xf32> to vector<1x1x16xf32>
        tpu.vector_store %arg9[%swap3A_343, %swap3A_344, %swap3A_345], %swap3A_348 {strides = array<i32>} : memref<2x80x128xf32, #tpu.memory_space<vmem>>, vector<1x1x16xf32>,
        %get3A_349 = arith.constant 0 : i32
        %get3A_350 = arith.index_cast %get3A_349 : i32 to index
        %get3A_351 = arith.index_cast %scan3A_290 : i32 to index
        %get3A_352 = arith.constant 48 : index
        %get3A_353 = tpu.vector_load %arg9[%get3A_350, %get3A_351, %get3A_352] {strides = array<i32>} : memref<2x80x128xf32, #tpu.memory_space<vmem>>, vector<1x1x16xf32>,
        %get3A_354 = vector.shape_cast %get3A_353 : vector<1x1x16xf32> to vector<16xf32>
        %get3A_355 = arith.constant 0 : i32
        %get3A_356 = arith.index_cast %get3A_355 : i32 to index
        %get3A_357 = arith.index_cast %scan3A_290 : i32 to index
        %get3A_358 = arith.constant 48 : index
        %get3A_359 = tpu.vector_load %arg10[%get3A_356, %get3A_357, %get3A_358] {strides = array<i32>} : memref<2x80x128xf32, #tpu.memory_space<vmem>>, vector<1x1x16xf32>,
        %get3A_360 = vector.shape_cast %get3A_359 : vector<1x1x16xf32> to vector<16xf32>
        %add3A_361 = arith.addf %get3A_354, %get3A_360 : vector<16xf32>
        %swap3A_362 = arith.constant 0 : i32
        %swap3A_363 = arith.index_cast %swap3A_362 : i32 to index
        %swap3A_364 = arith.index_cast %scan3A_290 : i32 to index
        %swap3A_365 = arith.constant 48 : index
        %swap3A_366 = tpu.vector_load %arg9[%swap3A_363, %swap3A_364, %swap3A_365] {strides = array<i32>} : memref<2x80x128xf32, #tpu.memory_space<vmem>>, vector<1x1x16xf32>,
        %swap3A_367 = vector.shape_cast %swap3A_366 : vector<1x1x16xf32> to vector<16xf32>
        %swap3A_368 = vector.shape_cast %add3A_361 : vector<16xf32> to vector<1x1x16xf32>
        tpu.vector_store %arg9[%swap3A_363, %swap3A_364, %swap3A_365], %swap3A_368 {strides = array<i32>} : memref<2x80x128xf32, #tpu.memory_space<vmem>>, vector<1x1x16xf32>,
        %get3A_369 = arith.constant 0 : i32
        %get3A_370 = arith.index_cast %get3A_369 : i32 to index
        %get3A_371 = arith.index_cast %scan3A_290 : i32 to index
        %get3A_372 = arith.constant 64 : index
        %get3A_373 = tpu.vector_load %arg9[%get3A_370, %get3A_371, %get3A_372] {strides = array<i32>} : memref<2x80x128xf32, #tpu.memory_space<vmem>>, vector<1x1x16xf32>,
        %get3A_374 = vector.shape_cast %get3A_373 : vector<1x1x16xf32> to vector<16xf32>
        %get3A_375 = arith.constant 0 : i32
        %get3A_376 = arith.index_cast %get3A_375 : i32 to index
        %get3A_377 = arith.index_cast %scan3A_290 : i32 to index
        %get3A_378 = arith.constant 64 : index
        %get3A_379 = tpu.vector_load %arg10[%get3A_376, %get3A_377, %get3A_378] {strides = array<i32>} : memref<2x80x128xf32, #tpu.memory_space<vmem>>, vector<1x1x16xf32>,
        %get3A_380 = vector.shape_cast %get3A_379 : vector<1x1x16xf32> to vector<16xf32>
        %add3A_381 = arith.addf %get3A_374, %get3A_380 : vector<16xf32>
        %swap3A_382 = arith.constant 0 : i32
        %swap3A_383 = arith.index_cast %swap3A_382 : i32 to index
        %swap3A_384 = arith.index_cast %scan3A_290 : i32 to index
        %swap3A_385 = arith.constant 64 : index
        %swap3A_386 = tpu.vector_load %arg9[%swap3A_383, %swap3A_384, %swap3A_385] {strides = array<i32>} : memref<2x80x128xf32, #tpu.memory_space<vmem>>, vector<1x1x16xf32>,
        %swap3A_387 = vector.shape_cast %swap3A_386 : vector<1x1x16xf32> to vector<16xf32>
        %swap3A_388 = vector.shape_cast %add3A_381 : vector<16xf32> to vector<1x1x16xf32>
        tpu.vector_store %arg9[%swap3A_383, %swap3A_384, %swap3A_385], %swap3A_388 {strides = array<i32>} : memref<2x80x128xf32, #tpu.memory_space<vmem>>, vector<1x1x16xf32>,
        %get3A_389 = arith.constant 0 : i32
        %get3A_390 = arith.index_cast %get3A_389 : i32 to index
        %get3A_391 = arith.index_cast %scan3A_290 : i32 to index
        %get3A_392 = arith.constant 80 : index
        %get3A_393 = tpu.vector_load %arg9[%get3A_390, %get3A_391, %get3A_392] {strides = array<i32>} : memref<2x80x128xf32, #tpu.memory_space<vmem>>, vector<1x1x16xf32>,
        %get3A_394 = vector.shape_cast %get3A_393 : vector<1x1x16xf32> to vector<16xf32>
        %get3A_395 = arith.constant 0 : i32
        %get3A_396 = arith.index_cast %get3A_395 : i32 to index
        %get3A_397 = arith.index_cast %scan3A_290 : i32 to index
        %get3A_398 = arith.constant 80 : index
        %get3A_399 = tpu.vector_load %arg10[%get3A_396, %get3A_397, %get3A_398] {strides = array<i32>} : memref<2x80x128xf32, #tpu.memory_space<vmem>>, vector<1x1x16xf32>,
        %get3A_400 = vector.shape_cast %get3A_399 : vector<1x1x16xf32> to vector<16xf32>
        %add3A_401 = arith.addf %get3A_394, %get3A_400 : vector<16xf32>
        %swap3A_402 = arith.constant 0 : i32
        %swap3A_403 = arith.index_cast %swap3A_402 : i32 to index
        %swap3A_404 = arith.index_cast %scan3A_290 : i32 to index
        %swap3A_405 = arith.constant 80 : index
        %swap3A_406 = tpu.vector_load %arg9[%swap3A_403, %swap3A_404, %swap3A_405] {strides = array<i32>} : memref<2x80x128xf32, #tpu.memory_space<vmem>>, vector<1x1x16xf32>,
        %swap3A_407 = vector.shape_cast %swap3A_406 : vector<1x1x16xf32> to vector<16xf32>
        %swap3A_408 = vector.shape_cast %add3A_401 : vector<16xf32> to vector<1x1x16xf32>
        tpu.vector_store %arg9[%swap3A_403, %swap3A_404, %swap3A_405], %swap3A_408 {strides = array<i32>} : memref<2x80x128xf32, #tpu.memory_space<vmem>>, vector<1x1x16xf32>,
        %get3A_409 = arith.constant 0 : i32
        %get3A_410 = arith.index_cast %get3A_409 : i32 to index
        %get3A_411 = arith.index_cast %scan3A_290 : i32 to index
        %get3A_412 = arith.constant 96 : index
        %get3A_413 = tpu.vector_load %arg9[%get3A_410, %get3A_411, %get3A_412] {strides = array<i32>} : memref<2x80x128xf32, #tpu.memory_space<vmem>>, vector<1x1x16xf32>,
        %get3A_414 = vector.shape_cast %get3A_413 : vector<1x1x16xf32> to vector<16xf32>
        %get3A_415 = arith.constant 0 : i32
        %get3A_416 = arith.index_cast %get3A_415 : i32 to index
        %get3A_417 = arith.index_cast %scan3A_290 : i32 to index
        %get3A_418 = arith.constant 96 : index
        %get3A_419 = tpu.vector_load %arg10[%get3A_416, %get3A_417, %get3A_418] {strides = array<i32>} : memref<2x80x128xf32, #tpu.memory_space<vmem>>, vector<1x1x16xf32>,
        %get3A_420 = vector.shape_cast %get3A_419 : vector<1x1x16xf32> to vector<16xf32>
        %add3A_421 = arith.addf %get3A_414, %get3A_420 : vector<16xf32>
        %swap3A_422 = arith.constant 0 : i32
        %swap3A_423 = arith.index_cast %swap3A_422 : i32 to index
        %swap3A_424 = arith.index_cast %scan3A_290 : i32 to index
        %swap3A_425 = arith.constant 96 : index
        %swap3A_426 = tpu.vector_load %arg9[%swap3A_423, %swap3A_424, %swap3A_425] {strides = array<i32>} : memref<2x80x128xf32, #tpu.memory_space<vmem>>, vector<1x1x16xf32>,
        %swap3A_427 = vector.shape_cast %swap3A_426 : vector<1x1x16xf32> to vector<16xf32>
        %swap3A_428 = vector.shape_cast %add3A_421 : vector<16xf32> to vector<1x1x16xf32>
        tpu.vector_store %arg9[%swap3A_423, %swap3A_424, %swap3A_425], %swap3A_428 {strides = array<i32>} : memref<2x80x128xf32, #tpu.memory_space<vmem>>, vector<1x1x16xf32>,
        %get3A_429 = arith.constant 0 : i32
        %get3A_430 = arith.index_cast %get3A_429 : i32 to index
        %get3A_431 = arith.index_cast %scan3A_290 : i32 to index
        %get3A_432 = arith.constant 112 : index
        %get3A_433 = tpu.vector_load %arg9[%get3A_430, %get3A_431, %get3A_432] {strides = array<i32>} : memref<2x80x128xf32, #tpu.memory_space<vmem>>, vector<1x1x16xf32>,
        %get3A_434 = vector.shape_cast %get3A_433 : vector<1x1x16xf32> to vector<16xf32>
        %get3A_435 = arith.constant 0 : i32
        %get3A_436 = arith.index_cast %get3A_435 : i32 to index
        %get3A_437 = arith.index_cast %scan3A_290 : i32 to index
        %get3A_438 = arith.constant 112 : index
        %get3A_439 = tpu.vector_load %arg10[%get3A_436, %get3A_437, %get3A_438] {strides = array<i32>} : memref<2x80x128xf32, #tpu.memory_space<vmem>>, vector<1x1x16xf32>,
        %get3A_440 = vector.shape_cast %get3A_439 : vector<1x1x16xf32> to vector<16xf32>
        %add3A_441 = arith.addf %get3A_434, %get3A_440 : vector<16xf32>
        %swap3A_442 = arith.constant 0 : i32
        %swap3A_443 = arith.index_cast %swap3A_442 : i32 to index
        %swap3A_444 = arith.index_cast %scan3A_290 : i32 to index
        %swap3A_445 = arith.constant 112 : index
        %swap3A_446 = tpu.vector_load %arg9[%swap3A_443, %swap3A_444, %swap3A_445] {strides = array<i32>} : memref<2x80x128xf32, #tpu.memory_space<vmem>>, vector<1x1x16xf32>,
        %swap3A_447 = vector.shape_cast %swap3A_446 : vector<1x1x16xf32> to vector<16xf32>
        %swap3A_448 = vector.shape_cast %add3A_441 : vector<16xf32> to vector<1x1x16xf32>
        tpu.vector_store %arg9[%swap3A_443, %swap3A_444, %swap3A_445], %swap3A_448 {strides = array<i32>} : memref<2x80x128xf32, #tpu.memory_space<vmem>>, vector<1x1x16xf32>,
      }
      %scan3A_175 = arith.constant 80 : i32
      %mul3A_176 = arith.constant 80 : i32
      %mul3A_177 = arith.muli %add3A_112, %mul3A_176 : i32
      %add3A_178 = arith.addi %mul3A_2, %mul3A_177 : i32
      %dma_start3A_179 = arith.constant 0 : i32
      %dma_start3A_180 = arith.constant 0 : i32
      %dma_start3A_181 = arith.constant 0 : i32
      %dma_start3A_182 = tpu.memref_slice %arg9[%dma_start3A_179, %dma_start3A_180, %dma_start3A_181] : memref<2x80x128xf32, #tpu.memory_space<vmem>> -> memref<1x80x128xf32, #tpu.memory_space<vmem>>
      %dma_start3A_183 = tpu.memref_squeeze %dma_start3A_182 : memref<1x80x128xf32, #tpu.memory_space<vmem>> -> memref<80x128xf32, #tpu.memory_space<vmem>>
      %dma_start3A_184 = arith.constant 0 : i32
      %dma_start3A_185 = tpu.memref_slice %arg6[%add3A_178, %dma_start3A_184] : memref<320000x128xf32, #tpu.memory_space<hbm>> -> memref<80x128xf32, #tpu.memory_space<hbm>>
      %dma_start3A_186 = arith.constant 0 : i32
      %dma_start3A_187 = tpu.memref_slice %arg6[%add3A_178, %dma_start3A_186] : memref<320000x128xf32, #tpu.memory_space<hbm>> -> memref<80x128xf32, #tpu.memory_space<hbm>>
      %dma_start3A_188 = arith.constant 0 : i32
      %dma_start3A_189 = arith.constant 0 : i32
      %dma_start3A_190 = tpu.memref_slice %arg9[%dma_start3A_179, %dma_start3A_188, %dma_start3A_189] : memref<2x80x128xf32, #tpu.memory_space<vmem>> -> memref<1x80x128xf32, #tpu.memory_space<vmem>>
      %dma_start3A_191 = tpu.memref_squeeze %dma_start3A_190 : memref<1x80x128xf32, #tpu.memory_space<vmem>> -> memref<80x128xf32, #tpu.memory_space<vmem>>
      tpu.enqueue_dma source(%dma_start3A_191 : memref<80x128xf32, #tpu.memory_space<vmem>>) target(%dma_start3A_187 : memref<80x128xf32, #tpu.memory_space<hbm>>) target_semaphore(%arg13 : memref<!tpu.dma_semaphore, #tpu.memory_space<semaphore_mem>>)
      %mul3A_192 = arith.constant 2 : i32
      %mul3A_193 = arith.muli %mul3A_192, %scan3A_108 : i32
      %add3A_194 = arith.constant 1 : i32
      %add3A_195 = arith.addi %mul3A_193, %add3A_194 : i32
      %add3A_196 = arith.constant 1 : i32
      %add3A_197 = arith.addi %add3A_195, %add3A_196 : i32
      %mul3A_198 = arith.constant 80 : i32
      %mul3A_199 = arith.muli %add3A_197, %mul3A_198 : i32
      %add3A_200 = arith.addi %mul3A_2, %mul3A_199 : i32
      %run_scoped3A_201 = arith.constant 0 : i32
      "tpu.region"() ({
        %run_scoped3A_290 = tpu.sem_alloc : memref<!tpu.dma_semaphore, #tpu.memory_space<semaphore_mem>>
        %dma_start3A_291 = arith.constant 0 : i32
        %dma_start3A_292 = tpu.memref_slice %arg7[%run_scoped3A_201, %dma_start3A_291] : memref<2x80xi32, #tpu.memory_space<vmem>> -> memref<1x80xi32, #tpu.memory_space<vmem>>
        %dma_start3A_293 = tpu.memref_squeeze %dma_start3A_292 : memref<1x80xi32, #tpu.memory_space<vmem>> -> memref<80xi32, #tpu.memory_space<vmem>>
        %dma_start3A_294 = tpu.memref_slice %arg4[%add3A_200] : memref<320000xi32, #tpu.memory_space<hbm>> -> memref<80xi32, #tpu.memory_space<hbm>>
        %dma_start3A_295 = arith.constant 0 : i32
        %dma_start3A_296 = tpu.memref_slice %arg7[%run_scoped3A_201, %dma_start3A_295] : memref<2x80xi32, #tpu.memory_space<vmem>> -> memref<1x80xi32, #tpu.memory_space<vmem>>
        %dma_start3A_297 = tpu.memref_squeeze %dma_start3A_296 : memref<1x80xi32, #tpu.memory_space<vmem>> -> memref<80xi32, #tpu.memory_space<vmem>>
        %dma_start3A_298 = tpu.memref_slice %arg4[%add3A_200] : memref<320000xi32, #tpu.memory_space<hbm>> -> memref<80xi32, #tpu.memory_space<hbm>>
        tpu.enqueue_dma source(%dma_start3A_298 : memref<80xi32, #tpu.memory_space<hbm>>) target(%dma_start3A_297 : memref<80xi32, #tpu.memory_space<vmem>>) target_semaphore(%run_scoped3A_290 : memref<!tpu.dma_semaphore, #tpu.memory_space<semaphore_mem>>)
        %dma_wait3A_299 = arith.constant 0 : i32
        %dma_wait3A_300 = tpu.memref_slice %arg7[%run_scoped3A_201, %dma_wait3A_299] : memref<2x80xi32, #tpu.memory_space<vmem>> -> memref<1x80xi32, #tpu.memory_space<vmem>>
        %dma_wait3A_301 = tpu.memref_squeeze %dma_wait3A_300 : memref<1x80xi32, #tpu.memory_space<vmem>> -> memref<80xi32, #tpu.memory_space<vmem>>
        %dma_wait3A_302 = tpu.memref_slice %arg4[%add3A_200] : memref<320000xi32, #tpu.memory_space<hbm>> -> memref<80xi32, #tpu.memory_space<hbm>>
        %dma_wait3A_303 = arith.constant 0 : i32
        %dma_wait3A_304 = tpu.memref_slice %arg7[%run_scoped3A_201, %dma_wait3A_303] : memref<2x80xi32, #tpu.memory_space<vmem>> -> memref<1x80xi32, #tpu.memory_space<vmem>>
        %dma_wait3A_305 = tpu.memref_squeeze %dma_wait3A_304 : memref<1x80xi32, #tpu.memory_space<vmem>> -> memref<80xi32, #tpu.memory_space<vmem>>
        %dma_wait3A_306 = tpu.memref_slice %arg4[%add3A_200] : memref<320000xi32, #tpu.memory_space<hbm>> -> memref<80xi32, #tpu.memory_space<hbm>>
        tpu.wait_dma2 semaphore(%run_scoped3A_290 : memref<!tpu.dma_semaphore, #tpu.memory_space<semaphore_mem>>) src(%dma_wait3A_306 : memref<80xi32, #tpu.memory_space<hbm>>) dst(%dma_wait3A_305 : memref<80xi32, #tpu.memory_space<vmem>>)
        tpu.yield
      }) : () -> ()
      %run_scoped3A_202 = arith.constant 0 : i32
      "tpu.region"() ({
        %run_scoped3A_290 = tpu.sem_alloc : memref<!tpu.dma_semaphore, #tpu.memory_space<semaphore_mem>>
        %dma_start3A_291 = arith.constant 0 : i32
        %dma_start3A_292 = tpu.memref_slice %arg8[%run_scoped3A_202, %dma_start3A_291] : memref<2x80xi32, #tpu.memory_space<vmem>> -> memref<1x80xi32, #tpu.memory_space<vmem>>
        %dma_start3A_293 = tpu.memref_squeeze %dma_start3A_292 : memref<1x80xi32, #tpu.memory_space<vmem>> -> memref<80xi32, #tpu.memory_space<vmem>>
        %dma_start3A_294 = tpu.memref_slice %arg5[%add3A_200] : memref<320000xi32, #tpu.memory_space<hbm>> -> memref<80xi32, #tpu.memory_space<hbm>>
        %dma_start3A_295 = arith.constant 0 : i32
        %dma_start3A_296 = tpu.memref_slice %arg8[%run_scoped3A_202, %dma_start3A_295] : memref<2x80xi32, #tpu.memory_space<vmem>> -> memref<1x80xi32, #tpu.memory_space<vmem>>
        %dma_start3A_297 = tpu.memref_squeeze %dma_start3A_296 : memref<1x80xi32, #tpu.memory_space<vmem>> -> memref<80xi32, #tpu.memory_space<vmem>>
        %dma_start3A_298 = tpu.memref_slice %arg5[%add3A_200] : memref<320000xi32, #tpu.memory_space<hbm>> -> memref<80xi32, #tpu.memory_space<hbm>>
        tpu.enqueue_dma source(%dma_start3A_298 : memref<80xi32, #tpu.memory_space<hbm>>) target(%dma_start3A_297 : memref<80xi32, #tpu.memory_space<vmem>>) target_semaphore(%run_scoped3A_290 : memref<!tpu.dma_semaphore, #tpu.memory_space<semaphore_mem>>)
        %dma_wait3A_299 = arith.constant 0 : i32
        %dma_wait3A_300 = tpu.memref_slice %arg8[%run_scoped3A_202, %dma_wait3A_299] : memref<2x80xi32, #tpu.memory_space<vmem>> -> memref<1x80xi32, #tpu.memory_space<vmem>>
        %dma_wait3A_301 = tpu.memref_squeeze %dma_wait3A_300 : memref<1x80xi32, #tpu.memory_space<vmem>> -> memref<80xi32, #tpu.memory_space<vmem>>
        %dma_wait3A_302 = tpu.memref_slice %arg5[%add3A_200] : memref<320000xi32, #tpu.memory_space<hbm>> -> memref<80xi32, #tpu.memory_space<hbm>>
        %dma_wait3A_303 = arith.constant 0 : i32
        %dma_wait3A_304 = tpu.memref_slice %arg8[%run_scoped3A_202, %dma_wait3A_303] : memref<2x80xi32, #tpu.memory_space<vmem>> -> memref<1x80xi32, #tpu.memory_space<vmem>>
        %dma_wait3A_305 = tpu.memref_squeeze %dma_wait3A_304 : memref<1x80xi32, #tpu.memory_space<vmem>> -> memref<80xi32, #tpu.memory_space<vmem>>
        %dma_wait3A_306 = tpu.memref_slice %arg5[%add3A_200] : memref<320000xi32, #tpu.memory_space<hbm>> -> memref<80xi32, #tpu.memory_space<hbm>>
        tpu.wait_dma2 semaphore(%run_scoped3A_290 : memref<!tpu.dma_semaphore, #tpu.memory_space<semaphore_mem>>) src(%dma_wait3A_306 : memref<80xi32, #tpu.memory_space<hbm>>) dst(%dma_wait3A_305 : memref<80xi32, #tpu.memory_space<vmem>>)
        tpu.yield
      }) : () -> ()
      %sub3A = arith.constant 1 : i32
      %sub3A_203 = arith.subi %add3A_195, %sub3A : i32
      %mul3A_204 = arith.constant 80 : i32
      %mul3A_205 = arith.muli %sub3A_203, %mul3A_204 : i32
      %add3A_206 = arith.addi %mul3A_2, %mul3A_205 : i32
      %dma_wait3A_207 = arith.constant 0 : i32
      %dma_wait3A_208 = arith.constant 0 : i32
      %dma_wait3A_209 = arith.constant 0 : i32
      %dma_wait3A_210 = tpu.memref_slice %arg9[%dma_wait3A_207, %dma_wait3A_208, %dma_wait3A_209] : memref<2x80x128xf32, #tpu.memory_space<vmem>> -> memref<1x80x128xf32, #tpu.memory_space<vmem>>
      %dma_wait3A_211 = tpu.memref_squeeze %dma_wait3A_210 : memref<1x80x128xf32, #tpu.memory_space<vmem>> -> memref<80x128xf32, #tpu.memory_space<vmem>>
      %dma_wait3A_212 = arith.constant 0 : i32
      %dma_wait3A_213 = tpu.memref_slice %arg6[%add3A_206, %dma_wait3A_212] : memref<320000x128xf32, #tpu.memory_space<hbm>> -> memref<80x128xf32, #tpu.memory_space<hbm>>
      %dma_wait3A_214 = arith.constant 0 : i32
      %dma_wait3A_215 = tpu.memref_slice %arg6[%add3A_206, %dma_wait3A_214] : memref<320000x128xf32, #tpu.memory_space<hbm>> -> memref<80x128xf32, #tpu.memory_space<hbm>>
      %dma_wait3A_216 = arith.constant 0 : i32
      %dma_wait3A_217 = arith.constant 0 : i32
      %dma_wait3A_218 = tpu.memref_slice %arg9[%dma_wait3A_207, %dma_wait3A_216, %dma_wait3A_217] : memref<2x80x128xf32, #tpu.memory_space<vmem>> -> memref<1x80x128xf32, #tpu.memory_space<vmem>>
      %dma_wait3A_219 = tpu.memref_squeeze %dma_wait3A_218 : memref<1x80x128xf32, #tpu.memory_space<vmem>> -> memref<80x128xf32, #tpu.memory_space<vmem>>
      tpu.wait_dma2 semaphore(%arg13 : memref<!tpu.dma_semaphore, #tpu.memory_space<semaphore_mem>>) src(%dma_wait3A_219 : memref<80x128xf32, #tpu.memory_space<vmem>>) dst(%dma_wait3A_215 : memref<80x128xf32, #tpu.memory_space<hbm>>)
      %dma_start3A_220 = arith.constant 0 : i32
      %dma_start3A_221 = arith.constant 0 : i32
      %dma_start3A_222 = arith.constant 0 : i32
      %dma_start3A_223 = arith.constant 0 : i32
      %dma_start3A_224 = tpu.memref_slice %arg9[%dma_start3A_221, %dma_start3A_222, %dma_start3A_223] : memref<2x80x128xf32, #tpu.memory_space<vmem>> -> memref<1x80x128xf32, #tpu.memory_space<vmem>>
      %dma_start3A_225 = tpu.memref_squeeze %dma_start3A_224 : memref<1x80x128xf32, #tpu.memory_space<vmem>> -> memref<80x128xf32, #tpu.memory_space<vmem>>
      %dma_start3A_226 = arith.constant 0 : i32
      %dma_start3A_227 = tpu.memref_slice %arg7[%dma_start3A_220, %dma_start3A_226] : memref<2x80xi32, #tpu.memory_space<vmem>> -> memref<1x80xi32, #tpu.memory_space<vmem>>
      %dma_start3A_228 = tpu.memref_squeeze %dma_start3A_227 : memref<1x80xi32, #tpu.memory_space<vmem>> -> memref<80xi32, #tpu.memory_space<vmem>>
      %dma_start3A_229 = arith.constant 0 : i32
      %dma_start3A_230 = arith.constant 0 : i32
      %dma_start3A_231 = tpu.memref_slice %arg2[%dma_start3A_229, %dma_start3A_230] : memref<10000x128xf32, #tpu.memory_space<hbm>> -> memref<10000x128xf32, #tpu.memory_space<hbm>>
      tpu.enqueue_indirect_dma source(%dma_start3A_231 : memref<10000x128xf32, #tpu.memory_space<hbm>>) target(%dma_start3A_225 : memref<80x128xf32, #tpu.memory_space<vmem>>) offsets(%dma_start3A_228 : memref<80xi32, #tpu.memory_space<vmem>>) semaphore(%arg11 : memref<!tpu.dma_semaphore, #tpu.memory_space<semaphore_mem>>)
      %dma_start3A_232 = arith.constant 0 : i32
      %dma_start3A_233 = arith.constant 0 : i32
      %dma_start3A_234 = arith.constant 0 : i32
      %dma_start3A_235 = arith.constant 0 : i32
      %dma_start3A_236 = tpu.memref_slice %arg10[%dma_start3A_233, %dma_start3A_234, %dma_start3A_235] : memref<2x80x128xf32, #tpu.memory_space<vmem>> -> memref<1x80x128xf32, #tpu.memory_space<vmem>>
      %dma_start3A_237 = tpu.memref_squeeze %dma_start3A_236 : memref<1x80x128xf32, #tpu.memory_space<vmem>> -> memref<80x128xf32, #tpu.memory_space<vmem>>
      %dma_start3A_238 = arith.constant 0 : i32
      %dma_start3A_239 = tpu.memref_slice %arg8[%dma_start3A_232, %dma_start3A_238] : memref<2x80xi32, #tpu.memory_space<vmem>> -> memref<1x80xi32, #tpu.memory_space<vmem>>
      %dma_start3A_240 = tpu.memref_squeeze %dma_start3A_239 : memref<1x80xi32, #tpu.memory_space<vmem>> -> memref<80xi32, #tpu.memory_space<vmem>>
      %dma_start3A_241 = arith.constant 0 : i32
      %dma_start3A_242 = arith.constant 0 : i32
      %dma_start3A_243 = tpu.memref_slice %arg3[%dma_start3A_241, %dma_start3A_242] : memref<10000x128xf32, #tpu.memory_space<hbm>> -> memref<10000x128xf32, #tpu.memory_space<hbm>>
      tpu.enqueue_indirect_dma source(%dma_start3A_243 : memref<10000x128xf32, #tpu.memory_space<hbm>>) target(%dma_start3A_237 : memref<80x128xf32, #tpu.memory_space<vmem>>) offsets(%dma_start3A_240 : memref<80xi32, #tpu.memory_space<vmem>>) semaphore(%arg11 : memref<!tpu.dma_semaphore, #tpu.memory_space<semaphore_mem>>)
      %dma_wait3A_244 = arith.constant 1 : i32
      %dma_wait3A_245 = arith.constant 1 : i32
      %dma_wait3A_246 = arith.constant 0 : i32
      %dma_wait3A_247 = arith.constant 0 : i32
      %dma_wait3A_248 = tpu.memref_slice %arg9[%dma_wait3A_245, %dma_wait3A_246, %dma_wait3A_247] : memref<2x80x128xf32, #tpu.memory_space<vmem>> -> memref<1x80x128xf32, #tpu.memory_space<vmem>>
      %dma_wait3A_249 = tpu.memref_squeeze %dma_wait3A_248 : memref<1x80x128xf32, #tpu.memory_space<vmem>> -> memref<80x128xf32, #tpu.memory_space<vmem>>
      %dma_wait3A_250 = arith.constant 0 : i32
      %dma_wait3A_251 = tpu.memref_slice %arg7[%dma_wait3A_244, %dma_wait3A_250] : memref<2x80xi32, #tpu.memory_space<vmem>> -> memref<1x80xi32, #tpu.memory_space<vmem>>
      %dma_wait3A_252 = tpu.memref_squeeze %dma_wait3A_251 : memref<1x80xi32, #tpu.memory_space<vmem>> -> memref<80xi32, #tpu.memory_space<vmem>>
      %dma_wait3A_253 = arith.constant 0 : i32
      %dma_wait3A_254 = arith.constant 0 : i32
      %dma_wait3A_255 = tpu.memref_slice %arg2[%dma_wait3A_253, %dma_wait3A_254] : memref<10000x128xf32, #tpu.memory_space<hbm>> -> memref<10000x128xf32, #tpu.memory_space<hbm>>
      tpu.wait_indirect_dma semaphore(%arg12 : memref<!tpu.dma_semaphore, #tpu.memory_space<semaphore_mem>>) src(%dma_wait3A_255 : memref<10000x128xf32, #tpu.memory_space<hbm>>) dst(%dma_wait3A_249 : memref<80x128xf32, #tpu.memory_space<vmem>>)
      %dma_wait3A_256 = arith.constant 1 : i32
      %dma_wait3A_257 = arith.constant 1 : i32
      %dma_wait3A_258 = arith.constant 0 : i32
      %dma_wait3A_259 = arith.constant 0 : i32
      %dma_wait3A_260 = tpu.memref_slice %arg10[%dma_wait3A_257, %dma_wait3A_258, %dma_wait3A_259] : memref<2x80x128xf32, #tpu.memory_space<vmem>> -> memref<1x80x128xf32, #tpu.memory_space<vmem>>
      %dma_wait3A_261 = tpu.memref_squeeze %dma_wait3A_260 : memref<1x80x128xf32, #tpu.memory_space<vmem>> -> memref<80x128xf32, #tpu.memory_space<vmem>>
      %dma_wait3A_262 = arith.constant 0 : i32
      %dma_wait3A_263 = tpu.memref_slice %arg8[%dma_wait3A_256, %dma_wait3A_262] : memref<2x80xi32, #tpu.memory_space<vmem>> -> memref<1x80xi32, #tpu.memory_space<vmem>>
      %dma_wait3A_264 = tpu.memref_squeeze %dma_wait3A_263 : memref<1x80xi32, #tpu.memory_space<vmem>> -> memref<80xi32, #tpu.memory_space<vmem>>
      %dma_wait3A_265 = arith.constant 0 : i32
      %dma_wait3A_266 = arith.constant 0 : i32
      %dma_wait3A_267 = tpu.memref_slice %arg3[%dma_wait3A_265, %dma_wait3A_266] : memref<10000x128xf32, #tpu.memory_space<hbm>> -> memref<10000x128xf32, #tpu.memory_space<hbm>>
      tpu.wait_indirect_dma semaphore(%arg12 : memref<!tpu.dma_semaphore, #tpu.memory_space<semaphore_mem>>) src(%dma_wait3A_267 : memref<10000x128xf32, #tpu.memory_space<hbm>>) dst(%dma_wait3A_261 : memref<80x128xf32, #tpu.memory_space<vmem>>)
      %scan3A_268 = arith.constant 0 : i32
      %scan3A_269 = arith.constant 0 : i32
      %scan3A_270 = arith.constant 80 : i32
      %scan3A_271 = arith.addi %scan3A_269, %scan3A_270 : i32
      %scan3A_272 = arith.constant 1 : i32
      scf.for %scan3A_290 = %scan3A_269 to %scan3A_271 step %scan3A_272  : i32 {
        %get3A = arith.constant 1 : i32
        %get3A_291 = arith.index_cast %get3A : i32 to index
        %get3A_292 = arith.index_cast %scan3A_290 : i32 to index
        %get3A_293 = arith.constant 0 : index
        %get3A_294 = tpu.vector_load %arg9[%get3A_291, %get3A_292, %get3A_293] {strides = array<i32>} : memref<2x80x128xf32, #tpu.memory_space<vmem>>, vector<1x1x16xf32>,
        %get3A_295 = vector.shape_cast %get3A_294 : vector<1x1x16xf32> to vector<16xf32>
        %get3A_296 = arith.constant 1 : i32
        %get3A_297 = arith.index_cast %get3A_296 : i32 to index
        %get3A_298 = arith.index_cast %scan3A_290 : i32 to index
        %get3A_299 = arith.constant 0 : index
        %get3A_300 = tpu.vector_load %arg10[%get3A_297, %get3A_298, %get3A_299] {strides = array<i32>} : memref<2x80x128xf32, #tpu.memory_space<vmem>>, vector<1x1x16xf32>,
        %get3A_301 = vector.shape_cast %get3A_300 : vector<1x1x16xf32> to vector<16xf32>
        %add3A_302 = arith.addf %get3A_295, %get3A_301 : vector<16xf32>
        %swap3A = arith.constant 1 : i32
        %swap3A_303 = arith.index_cast %swap3A : i32 to index
        %swap3A_304 = arith.index_cast %scan3A_290 : i32 to index
        %swap3A_305 = arith.constant 0 : index
        %swap3A_306 = tpu.vector_load %arg9[%swap3A_303, %swap3A_304, %swap3A_305] {strides = array<i32>} : memref<2x80x128xf32, #tpu.memory_space<vmem>>, vector<1x1x16xf32>,
        %swap3A_307 = vector.shape_cast %swap3A_306 : vector<1x1x16xf32> to vector<16xf32>
        %swap3A_308 = vector.shape_cast %add3A_302 : vector<16xf32> to vector<1x1x16xf32>
        tpu.vector_store %arg9[%swap3A_303, %swap3A_304, %swap3A_305], %swap3A_308 {strides = array<i32>} : memref<2x80x128xf32, #tpu.memory_space<vmem>>, vector<1x1x16xf32>,
        %get3A_309 = arith.constant 1 : i32
        %get3A_310 = arith.index_cast %get3A_309 : i32 to index
        %get3A_311 = arith.index_cast %scan3A_290 : i32 to index
        %get3A_312 = arith.constant 16 : index
        %get3A_313 = tpu.vector_load %arg9[%get3A_310, %get3A_311, %get3A_312] {strides = array<i32>} : memref<2x80x128xf32, #tpu.memory_space<vmem>>, vector<1x1x16xf32>,
        %get3A_314 = vector.shape_cast %get3A_313 : vector<1x1x16xf32> to vector<16xf32>
        %get3A_315 = arith.constant 1 : i32
        %get3A_316 = arith.index_cast %get3A_315 : i32 to index
        %get3A_317 = arith.index_cast %scan3A_290 : i32 to index
        %get3A_318 = arith.constant 16 : index
        %get3A_319 = tpu.vector_load %arg10[%get3A_316, %get3A_317, %get3A_318] {strides = array<i32>} : memref<2x80x128xf32, #tpu.memory_space<vmem>>, vector<1x1x16xf32>,
        %get3A_320 = vector.shape_cast %get3A_319 : vector<1x1x16xf32> to vector<16xf32>
        %add3A_321 = arith.addf %get3A_314, %get3A_320 : vector<16xf32>
        %swap3A_322 = arith.constant 1 : i32
        %swap3A_323 = arith.index_cast %swap3A_322 : i32 to index
        %swap3A_324 = arith.index_cast %scan3A_290 : i32 to index
        %swap3A_325 = arith.constant 16 : index
        %swap3A_326 = tpu.vector_load %arg9[%swap3A_323, %swap3A_324, %swap3A_325] {strides = array<i32>} : memref<2x80x128xf32, #tpu.memory_space<vmem>>, vector<1x1x16xf32>,
        %swap3A_327 = vector.shape_cast %swap3A_326 : vector<1x1x16xf32> to vector<16xf32>
        %swap3A_328 = vector.shape_cast %add3A_321 : vector<16xf32> to vector<1x1x16xf32>
        tpu.vector_store %arg9[%swap3A_323, %swap3A_324, %swap3A_325], %swap3A_328 {strides = array<i32>} : memref<2x80x128xf32, #tpu.memory_space<vmem>>, vector<1x1x16xf32>,
        %get3A_329 = arith.constant 1 : i32
        %get3A_330 = arith.index_cast %get3A_329 : i32 to index
        %get3A_331 = arith.index_cast %scan3A_290 : i32 to index
        %get3A_332 = arith.constant 32 : index
        %get3A_333 = tpu.vector_load %arg9[%get3A_330, %get3A_331, %get3A_332] {strides = array<i32>} : memref<2x80x128xf32, #tpu.memory_space<vmem>>, vector<1x1x16xf32>,
        %get3A_334 = vector.shape_cast %get3A_333 : vector<1x1x16xf32> to vector<16xf32>
        %get3A_335 = arith.constant 1 : i32
        %get3A_336 = arith.index_cast %get3A_335 : i32 to index
        %get3A_337 = arith.index_cast %scan3A_290 : i32 to index
        %get3A_338 = arith.constant 32 : index
        %get3A_339 = tpu.vector_load %arg10[%get3A_336, %get3A_337, %get3A_338] {strides = array<i32>} : memref<2x80x128xf32, #tpu.memory_space<vmem>>, vector<1x1x16xf32>,
        %get3A_340 = vector.shape_cast %get3A_339 : vector<1x1x16xf32> to vector<16xf32>
        %add3A_341 = arith.addf %get3A_334, %get3A_340 : vector<16xf32>
        %swap3A_342 = arith.constant 1 : i32
        %swap3A_343 = arith.index_cast %swap3A_342 : i32 to index
        %swap3A_344 = arith.index_cast %scan3A_290 : i32 to index
        %swap3A_345 = arith.constant 32 : index
        %swap3A_346 = tpu.vector_load %arg9[%swap3A_343, %swap3A_344, %swap3A_345] {strides = array<i32>} : memref<2x80x128xf32, #tpu.memory_space<vmem>>, vector<1x1x16xf32>,
        %swap3A_347 = vector.shape_cast %swap3A_346 : vector<1x1x16xf32> to vector<16xf32>
        %swap3A_348 = vector.shape_cast %add3A_341 : vector<16xf32> to vector<1x1x16xf32>
        tpu.vector_store %arg9[%swap3A_343, %swap3A_344, %swap3A_345], %swap3A_348 {strides = array<i32>} : memref<2x80x128xf32, #tpu.memory_space<vmem>>, vector<1x1x16xf32>,
        %get3A_349 = arith.constant 1 : i32
        %get3A_350 = arith.index_cast %get3A_349 : i32 to index
        %get3A_351 = arith.index_cast %scan3A_290 : i32 to index
        %get3A_352 = arith.constant 48 : index
        %get3A_353 = tpu.vector_load %arg9[%get3A_350, %get3A_351, %get3A_352] {strides = array<i32>} : memref<2x80x128xf32, #tpu.memory_space<vmem>>, vector<1x1x16xf32>,
        %get3A_354 = vector.shape_cast %get3A_353 : vector<1x1x16xf32> to vector<16xf32>
        %get3A_355 = arith.constant 1 : i32
        %get3A_356 = arith.index_cast %get3A_355 : i32 to index
        %get3A_357 = arith.index_cast %scan3A_290 : i32 to index
        %get3A_358 = arith.constant 48 : index
        %get3A_359 = tpu.vector_load %arg10[%get3A_356, %get3A_357, %get3A_358] {strides = array<i32>} : memref<2x80x128xf32, #tpu.memory_space<vmem>>, vector<1x1x16xf32>,
        %get3A_360 = vector.shape_cast %get3A_359 : vector<1x1x16xf32> to vector<16xf32>
        %add3A_361 = arith.addf %get3A_354, %get3A_360 : vector<16xf32>
        %swap3A_362 = arith.constant 1 : i32
        %swap3A_363 = arith.index_cast %swap3A_362 : i32 to index
        %swap3A_364 = arith.index_cast %scan3A_290 : i32 to index
        %swap3A_365 = arith.constant 48 : index
        %swap3A_366 = tpu.vector_load %arg9[%swap3A_363, %swap3A_364, %swap3A_365] {strides = array<i32>} : memref<2x80x128xf32, #tpu.memory_space<vmem>>, vector<1x1x16xf32>,
        %swap3A_367 = vector.shape_cast %swap3A_366 : vector<1x1x16xf32> to vector<16xf32>
        %swap3A_368 = vector.shape_cast %add3A_361 : vector<16xf32> to vector<1x1x16xf32>
        tpu.vector_store %arg9[%swap3A_363, %swap3A_364, %swap3A_365], %swap3A_368 {strides = array<i32>} : memref<2x80x128xf32, #tpu.memory_space<vmem>>, vector<1x1x16xf32>,
        %get3A_369 = arith.constant 1 : i32
        %get3A_370 = arith.index_cast %get3A_369 : i32 to index
        %get3A_371 = arith.index_cast %scan3A_290 : i32 to index
        %get3A_372 = arith.constant 64 : index
        %get3A_373 = tpu.vector_load %arg9[%get3A_370, %get3A_371, %get3A_372] {strides = array<i32>} : memref<2x80x128xf32, #tpu.memory_space<vmem>>, vector<1x1x16xf32>,
        %get3A_374 = vector.shape_cast %get3A_373 : vector<1x1x16xf32> to vector<16xf32>
        %get3A_375 = arith.constant 1 : i32
        %get3A_376 = arith.index_cast %get3A_375 : i32 to index
        %get3A_377 = arith.index_cast %scan3A_290 : i32 to index
        %get3A_378 = arith.constant 64 : index
        %get3A_379 = tpu.vector_load %arg10[%get3A_376, %get3A_377, %get3A_378] {strides = array<i32>} : memref<2x80x128xf32, #tpu.memory_space<vmem>>, vector<1x1x16xf32>,
        %get3A_380 = vector.shape_cast %get3A_379 : vector<1x1x16xf32> to vector<16xf32>
        %add3A_381 = arith.addf %get3A_374, %get3A_380 : vector<16xf32>
        %swap3A_382 = arith.constant 1 : i32
        %swap3A_383 = arith.index_cast %swap3A_382 : i32 to index
        %swap3A_384 = arith.index_cast %scan3A_290 : i32 to index
        %swap3A_385 = arith.constant 64 : index
        %swap3A_386 = tpu.vector_load %arg9[%swap3A_383, %swap3A_384, %swap3A_385] {strides = array<i32>} : memref<2x80x128xf32, #tpu.memory_space<vmem>>, vector<1x1x16xf32>,
        %swap3A_387 = vector.shape_cast %swap3A_386 : vector<1x1x16xf32> to vector<16xf32>
        %swap3A_388 = vector.shape_cast %add3A_381 : vector<16xf32> to vector<1x1x16xf32>
        tpu.vector_store %arg9[%swap3A_383, %swap3A_384, %swap3A_385], %swap3A_388 {strides = array<i32>} : memref<2x80x128xf32, #tpu.memory_space<vmem>>, vector<1x1x16xf32>,
        %get3A_389 = arith.constant 1 : i32
        %get3A_390 = arith.index_cast %get3A_389 : i32 to index
        %get3A_391 = arith.index_cast %scan3A_290 : i32 to index
        %get3A_392 = arith.constant 80 : index
        %get3A_393 = tpu.vector_load %arg9[%get3A_390, %get3A_391, %get3A_392] {strides = array<i32>} : memref<2x80x128xf32, #tpu.memory_space<vmem>>, vector<1x1x16xf32>,
        %get3A_394 = vector.shape_cast %get3A_393 : vector<1x1x16xf32> to vector<16xf32>
        %get3A_395 = arith.constant 1 : i32
        %get3A_396 = arith.index_cast %get3A_395 : i32 to index
        %get3A_397 = arith.index_cast %scan3A_290 : i32 to index
        %get3A_398 = arith.constant 80 : index
        %get3A_399 = tpu.vector_load %arg10[%get3A_396, %get3A_397, %get3A_398] {strides = array<i32>} : memref<2x80x128xf32, #tpu.memory_space<vmem>>, vector<1x1x16xf32>,
        %get3A_400 = vector.shape_cast %get3A_399 : vector<1x1x16xf32> to vector<16xf32>
        %add3A_401 = arith.addf %get3A_394, %get3A_400 : vector<16xf32>
        %swap3A_402 = arith.constant 1 : i32
        %swap3A_403 = arith.index_cast %swap3A_402 : i32 to index
        %swap3A_404 = arith.index_cast %scan3A_290 : i32 to index
        %swap3A_405 = arith.constant 80 : index
        %swap3A_406 = tpu.vector_load %arg9[%swap3A_403, %swap3A_404, %swap3A_405] {strides = array<i32>} : memref<2x80x128xf32, #tpu.memory_space<vmem>>, vector<1x1x16xf32>,
        %swap3A_407 = vector.shape_cast %swap3A_406 : vector<1x1x16xf32> to vector<16xf32>
        %swap3A_408 = vector.shape_cast %add3A_401 : vector<16xf32> to vector<1x1x16xf32>
        tpu.vector_store %arg9[%swap3A_403, %swap3A_404, %swap3A_405], %swap3A_408 {strides = array<i32>} : memref<2x80x128xf32, #tpu.memory_space<vmem>>, vector<1x1x16xf32>,
        %get3A_409 = arith.constant 1 : i32
        %get3A_410 = arith.index_cast %get3A_409 : i32 to index
        %get3A_411 = arith.index_cast %scan3A_290 : i32 to index
        %get3A_412 = arith.constant 96 : index
        %get3A_413 = tpu.vector_load %arg9[%get3A_410, %get3A_411, %get3A_412] {strides = array<i32>} : memref<2x80x128xf32, #tpu.memory_space<vmem>>, vector<1x1x16xf32>,
        %get3A_414 = vector.shape_cast %get3A_413 : vector<1x1x16xf32> to vector<16xf32>
        %get3A_415 = arith.constant 1 : i32
        %get3A_416 = arith.index_cast %get3A_415 : i32 to index
        %get3A_417 = arith.index_cast %scan3A_290 : i32 to index
        %get3A_418 = arith.constant 96 : index
        %get3A_419 = tpu.vector_load %arg10[%get3A_416, %get3A_417, %get3A_418] {strides = array<i32>} : memref<2x80x128xf32, #tpu.memory_space<vmem>>, vector<1x1x16xf32>,
        %get3A_420 = vector.shape_cast %get3A_419 : vector<1x1x16xf32> to vector<16xf32>
        %add3A_421 = arith.addf %get3A_414, %get3A_420 : vector<16xf32>
        %swap3A_422 = arith.constant 1 : i32
        %swap3A_423 = arith.index_cast %swap3A_422 : i32 to index
        %swap3A_424 = arith.index_cast %scan3A_290 : i32 to index
        %swap3A_425 = arith.constant 96 : index
        %swap3A_426 = tpu.vector_load %arg9[%swap3A_423, %swap3A_424, %swap3A_425] {strides = array<i32>} : memref<2x80x128xf32, #tpu.memory_space<vmem>>, vector<1x1x16xf32>,
        %swap3A_427 = vector.shape_cast %swap3A_426 : vector<1x1x16xf32> to vector<16xf32>
        %swap3A_428 = vector.shape_cast %add3A_421 : vector<16xf32> to vector<1x1x16xf32>
        tpu.vector_store %arg9[%swap3A_423, %swap3A_424, %swap3A_425], %swap3A_428 {strides = array<i32>} : memref<2x80x128xf32, #tpu.memory_space<vmem>>, vector<1x1x16xf32>,
        %get3A_429 = arith.constant 1 : i32
        %get3A_430 = arith.index_cast %get3A_429 : i32 to index
        %get3A_431 = arith.index_cast %scan3A_290 : i32 to index
        %get3A_432 = arith.constant 112 : index
        %get3A_433 = tpu.vector_load %arg9[%get3A_430, %get3A_431, %get3A_432] {strides = array<i32>} : memref<2x80x128xf32, #tpu.memory_space<vmem>>, vector<1x1x16xf32>,
        %get3A_434 = vector.shape_cast %get3A_433 : vector<1x1x16xf32> to vector<16xf32>
        %get3A_435 = arith.constant 1 : i32
        %get3A_436 = arith.index_cast %get3A_435 : i32 to index
        %get3A_437 = arith.index_cast %scan3A_290 : i32 to index
        %get3A_438 = arith.constant 112 : index
        %get3A_439 = tpu.vector_load %arg10[%get3A_436, %get3A_437, %get3A_438] {strides = array<i32>} : memref<2x80x128xf32, #tpu.memory_space<vmem>>, vector<1x1x16xf32>,
        %get3A_440 = vector.shape_cast %get3A_439 : vector<1x1x16xf32> to vector<16xf32>
        %add3A_441 = arith.addf %get3A_434, %get3A_440 : vector<16xf32>
        %swap3A_442 = arith.constant 1 : i32
        %swap3A_443 = arith.index_cast %swap3A_442 : i32 to index
        %swap3A_444 = arith.index_cast %scan3A_290 : i32 to index
        %swap3A_445 = arith.constant 112 : index
        %swap3A_446 = tpu.vector_load %arg9[%swap3A_443, %swap3A_444, %swap3A_445] {strides = array<i32>} : memref<2x80x128xf32, #tpu.memory_space<vmem>>, vector<1x1x16xf32>,
        %swap3A_447 = vector.shape_cast %swap3A_446 : vector<1x1x16xf32> to vector<16xf32>
        %swap3A_448 = vector.shape_cast %add3A_441 : vector<16xf32> to vector<1x1x16xf32>
        tpu.vector_store %arg9[%swap3A_443, %swap3A_444, %swap3A_445], %swap3A_448 {strides = array<i32>} : memref<2x80x128xf32, #tpu.memory_space<vmem>>, vector<1x1x16xf32>,
      }
      %scan3A_273 = arith.constant 80 : i32
      %mul3A_274 = arith.constant 80 : i32
      %mul3A_275 = arith.muli %add3A_195, %mul3A_274 : i32
      %add3A_276 = arith.addi %mul3A_2, %mul3A_275 : i32
      %dma_start3A_277 = arith.constant 1 : i32
      %dma_start3A_278 = arith.constant 0 : i32
      %dma_start3A_279 = arith.constant 0 : i32
      %dma_start3A_280 = tpu.memref_slice %arg9[%dma_start3A_277, %dma_start3A_278, %dma_start3A_279] : memref<2x80x128xf32, #tpu.memory_space<vmem>> -> memref<1x80x128xf32, #tpu.memory_space<vmem>>
      %dma_start3A_281 = tpu.memref_squeeze %dma_start3A_280 : memref<1x80x128xf32, #tpu.memory_space<vmem>> -> memref<80x128xf32, #tpu.memory_space<vmem>>
      %dma_start3A_282 = arith.constant 0 : i32
      %dma_start3A_283 = tpu.memref_slice %arg6[%add3A_276, %dma_start3A_282] : memref<320000x128xf32, #tpu.memory_space<hbm>> -> memref<80x128xf32, #tpu.memory_space<hbm>>
      %dma_start3A_284 = arith.constant 0 : i32
      %dma_start3A_285 = tpu.memref_slice %arg6[%add3A_276, %dma_start3A_284] : memref<320000x128xf32, #tpu.memory_space<hbm>> -> memref<80x128xf32, #tpu.memory_space<hbm>>
      %dma_start3A_286 = arith.constant 0 : i32
      %dma_start3A_287 = arith.constant 0 : i32
      %dma_start3A_288 = tpu.memref_slice %arg9[%dma_start3A_277, %dma_start3A_286, %dma_start3A_287] : memref<2x80x128xf32, #tpu.memory_space<vmem>> -> memref<1x80x128xf32, #tpu.memory_space<vmem>>
      %dma_start3A_289 = tpu.memref_squeeze %dma_start3A_288 : memref<1x80x128xf32, #tpu.memory_space<vmem>> -> memref<80x128xf32, #tpu.memory_space<vmem>>
      tpu.enqueue_dma source(%dma_start3A_289 : memref<80x128xf32, #tpu.memory_space<vmem>>) target(%dma_start3A_285 : memref<80x128xf32, #tpu.memory_space<hbm>>) target_semaphore(%arg14 : memref<!tpu.dma_semaphore, #tpu.memory_space<semaphore_mem>>)
    }
    %scan3A_33 = arith.constant 62 : i32
    %dma_wait3A = arith.constant 0 : i32
    %dma_wait3A_34 = arith.constant 0 : i32
    %dma_wait3A_35 = arith.constant 0 : i32
    %dma_wait3A_36 = arith.constant 0 : i32
    %dma_wait3A_37 = tpu.memref_slice %arg9[%dma_wait3A_34, %dma_wait3A_35, %dma_wait3A_36] : memref<2x80x128xf32, #tpu.memory_space<vmem>> -> memref<1x80x128xf32, #tpu.memory_space<vmem>>
    %dma_wait3A_38 = tpu.memref_squeeze %dma_wait3A_37 : memref<1x80x128xf32, #tpu.memory_space<vmem>> -> memref<80x128xf32, #tpu.memory_space<vmem>>
    %dma_wait3A_39 = arith.constant 0 : i32
    %dma_wait3A_40 = tpu.memref_slice %arg7[%dma_wait3A, %dma_wait3A_39] : memref<2x80xi32, #tpu.memory_space<vmem>> -> memref<1x80xi32, #tpu.memory_space<vmem>>
    %dma_wait3A_41 = tpu.memref_squeeze %dma_wait3A_40 : memref<1x80xi32, #tpu.memory_space<vmem>> -> memref<80xi32, #tpu.memory_space<vmem>>
    %dma_wait3A_42 = arith.constant 0 : i32
    %dma_wait3A_43 = arith.constant 0 : i32
    %dma_wait3A_44 = tpu.memref_slice %arg2[%dma_wait3A_42, %dma_wait3A_43] : memref<10000x128xf32, #tpu.memory_space<hbm>> -> memref<10000x128xf32, #tpu.memory_space<hbm>>
    tpu.wait_indirect_dma semaphore(%arg11 : memref<!tpu.dma_semaphore, #tpu.memory_space<semaphore_mem>>) src(%dma_wait3A_44 : memref<10000x128xf32, #tpu.memory_space<hbm>>) dst(%dma_wait3A_38 : memref<80x128xf32, #tpu.memory_space<vmem>>)
    %dma_wait3A_45 = arith.constant 0 : i32
    %dma_wait3A_46 = arith.constant 0 : i32
    %dma_wait3A_47 = arith.constant 0 : i32
    %dma_wait3A_48 = arith.constant 0 : i32
    %dma_wait3A_49 = tpu.memref_slice %arg10[%dma_wait3A_46, %dma_wait3A_47, %dma_wait3A_48] : memref<2x80x128xf32, #tpu.memory_space<vmem>> -> memref<1x80x128xf32, #tpu.memory_space<vmem>>
    %dma_wait3A_50 = tpu.memref_squeeze %dma_wait3A_49 : memref<1x80x128xf32, #tpu.memory_space<vmem>> -> memref<80x128xf32, #tpu.memory_space<vmem>>
    %dma_wait3A_51 = arith.constant 0 : i32
    %dma_wait3A_52 = tpu.memref_slice %arg8[%dma_wait3A_45, %dma_wait3A_51] : memref<2x80xi32, #tpu.memory_space<vmem>> -> memref<1x80xi32, #tpu.memory_space<vmem>>
    %dma_wait3A_53 = tpu.memref_squeeze %dma_wait3A_52 : memref<1x80xi32, #tpu.memory_space<vmem>> -> memref<80xi32, #tpu.memory_space<vmem>>
    %dma_wait3A_54 = arith.constant 0 : i32
    %dma_wait3A_55 = arith.constant 0 : i32
    %dma_wait3A_56 = tpu.memref_slice %arg3[%dma_wait3A_54, %dma_wait3A_55] : memref<10000x128xf32, #tpu.memory_space<hbm>> -> memref<10000x128xf32, #tpu.memory_space<hbm>>
    tpu.wait_indirect_dma semaphore(%arg11 : memref<!tpu.dma_semaphore, #tpu.memory_space<semaphore_mem>>) src(%dma_wait3A_56 : memref<10000x128xf32, #tpu.memory_space<hbm>>) dst(%dma_wait3A_50 : memref<80x128xf32, #tpu.memory_space<vmem>>)
    %scan3A_57 = arith.constant 0 : i32
    %scan3A_58 = arith.constant 0 : i32
    %scan3A_59 = arith.constant 80 : i32
    %scan3A_60 = arith.addi %scan3A_58, %scan3A_59 : i32
    %scan3A_61 = arith.constant 1 : i32
    scf.for %scan3A_108 = %scan3A_58 to %scan3A_60 step %scan3A_61  : i32 {
      %get3A = arith.constant 0 : i32
      %get3A_109 = arith.index_cast %get3A : i32 to index
      %get3A_110 = arith.index_cast %scan3A_108 : i32 to index
      %get3A_111 = arith.constant 0 : index
      %get3A_112 = tpu.vector_load %arg9[%get3A_109, %get3A_110, %get3A_111] {strides = array<i32>} : memref<2x80x128xf32, #tpu.memory_space<vmem>>, vector<1x1x16xf32>,
      %get3A_113 = vector.shape_cast %get3A_112 : vector<1x1x16xf32> to vector<16xf32>
      %get3A_114 = arith.constant 0 : i32
      %get3A_115 = arith.index_cast %get3A_114 : i32 to index
      %get3A_116 = arith.index_cast %scan3A_108 : i32 to index
      %get3A_117 = arith.constant 0 : index
      %get3A_118 = tpu.vector_load %arg10[%get3A_115, %get3A_116, %get3A_117] {strides = array<i32>} : memref<2x80x128xf32, #tpu.memory_space<vmem>>, vector<1x1x16xf32>,
      %get3A_119 = vector.shape_cast %get3A_118 : vector<1x1x16xf32> to vector<16xf32>
      %add3A_120 = arith.addf %get3A_113, %get3A_119 : vector<16xf32>
      %swap3A = arith.constant 0 : i32
      %swap3A_121 = arith.index_cast %swap3A : i32 to index
      %swap3A_122 = arith.index_cast %scan3A_108 : i32 to index
      %swap3A_123 = arith.constant 0 : index
      %swap3A_124 = tpu.vector_load %arg9[%swap3A_121, %swap3A_122, %swap3A_123] {strides = array<i32>} : memref<2x80x128xf32, #tpu.memory_space<vmem>>, vector<1x1x16xf32>,
      %swap3A_125 = vector.shape_cast %swap3A_124 : vector<1x1x16xf32> to vector<16xf32>
      %swap3A_126 = vector.shape_cast %add3A_120 : vector<16xf32> to vector<1x1x16xf32>
      tpu.vector_store %arg9[%swap3A_121, %swap3A_122, %swap3A_123], %swap3A_126 {strides = array<i32>} : memref<2x80x128xf32, #tpu.memory_space<vmem>>, vector<1x1x16xf32>,
      %get3A_127 = arith.constant 0 : i32
      %get3A_128 = arith.index_cast %get3A_127 : i32 to index
      %get3A_129 = arith.index_cast %scan3A_108 : i32 to index
      %get3A_130 = arith.constant 16 : index
      %get3A_131 = tpu.vector_load %arg9[%get3A_128, %get3A_129, %get3A_130] {strides = array<i32>} : memref<2x80x128xf32, #tpu.memory_space<vmem>>, vector<1x1x16xf32>,
      %get3A_132 = vector.shape_cast %get3A_131 : vector<1x1x16xf32> to vector<16xf32>
      %get3A_133 = arith.constant 0 : i32
      %get3A_134 = arith.index_cast %get3A_133 : i32 to index
      %get3A_135 = arith.index_cast %scan3A_108 : i32 to index
      %get3A_136 = arith.constant 16 : index
      %get3A_137 = tpu.vector_load %arg10[%get3A_134, %get3A_135, %get3A_136] {strides = array<i32>} : memref<2x80x128xf32, #tpu.memory_space<vmem>>, vector<1x1x16xf32>,
      %get3A_138 = vector.shape_cast %get3A_137 : vector<1x1x16xf32> to vector<16xf32>
      %add3A_139 = arith.addf %get3A_132, %get3A_138 : vector<16xf32>
      %swap3A_140 = arith.constant 0 : i32
      %swap3A_141 = arith.index_cast %swap3A_140 : i32 to index
      %swap3A_142 = arith.index_cast %scan3A_108 : i32 to index
      %swap3A_143 = arith.constant 16 : index
      %swap3A_144 = tpu.vector_load %arg9[%swap3A_141, %swap3A_142, %swap3A_143] {strides = array<i32>} : memref<2x80x128xf32, #tpu.memory_space<vmem>>, vector<1x1x16xf32>,
      %swap3A_145 = vector.shape_cast %swap3A_144 : vector<1x1x16xf32> to vector<16xf32>
      %swap3A_146 = vector.shape_cast %add3A_139 : vector<16xf32> to vector<1x1x16xf32>
      tpu.vector_store %arg9[%swap3A_141, %swap3A_142, %swap3A_143], %swap3A_146 {strides = array<i32>} : memref<2x80x128xf32, #tpu.memory_space<vmem>>, vector<1x1x16xf32>,
      %get3A_147 = arith.constant 0 : i32
      %get3A_148 = arith.index_cast %get3A_147 : i32 to index
      %get3A_149 = arith.index_cast %scan3A_108 : i32 to index
      %get3A_150 = arith.constant 32 : index
      %get3A_151 = tpu.vector_load %arg9[%get3A_148, %get3A_149, %get3A_150] {strides = array<i32>} : memref<2x80x128xf32, #tpu.memory_space<vmem>>, vector<1x1x16xf32>,
      %get3A_152 = vector.shape_cast %get3A_151 : vector<1x1x16xf32> to vector<16xf32>
      %get3A_153 = arith.constant 0 : i32
      %get3A_154 = arith.index_cast %get3A_153 : i32 to index
      %get3A_155 = arith.index_cast %scan3A_108 : i32 to index
      %get3A_156 = arith.constant 32 : index
      %get3A_157 = tpu.vector_load %arg10[%get3A_154, %get3A_155, %get3A_156] {strides = array<i32>} : memref<2x80x128xf32, #tpu.memory_space<vmem>>, vector<1x1x16xf32>,
      %get3A_158 = vector.shape_cast %get3A_157 : vector<1x1x16xf32> to vector<16xf32>
      %add3A_159 = arith.addf %get3A_152, %get3A_158 : vector<16xf32>
      %swap3A_160 = arith.constant 0 : i32
      %swap3A_161 = arith.index_cast %swap3A_160 : i32 to index
      %swap3A_162 = arith.index_cast %scan3A_108 : i32 to index
      %swap3A_163 = arith.constant 32 : index
      %swap3A_164 = tpu.vector_load %arg9[%swap3A_161, %swap3A_162, %swap3A_163] {strides = array<i32>} : memref<2x80x128xf32, #tpu.memory_space<vmem>>, vector<1x1x16xf32>,
      %swap3A_165 = vector.shape_cast %swap3A_164 : vector<1x1x16xf32> to vector<16xf32>
      %swap3A_166 = vector.shape_cast %add3A_159 : vector<16xf32> to vector<1x1x16xf32>
      tpu.vector_store %arg9[%swap3A_161, %swap3A_162, %swap3A_163], %swap3A_166 {strides = array<i32>} : memref<2x80x128xf32, #tpu.memory_space<vmem>>, vector<1x1x16xf32>,
      %get3A_167 = arith.constant 0 : i32
      %get3A_168 = arith.index_cast %get3A_167 : i32 to index
      %get3A_169 = arith.index_cast %scan3A_108 : i32 to index
      %get3A_170 = arith.constant 48 : index
      %get3A_171 = tpu.vector_load %arg9[%get3A_168, %get3A_169, %get3A_170] {strides = array<i32>} : memref<2x80x128xf32, #tpu.memory_space<vmem>>, vector<1x1x16xf32>,
      %get3A_172 = vector.shape_cast %get3A_171 : vector<1x1x16xf32> to vector<16xf32>
      %get3A_173 = arith.constant 0 : i32
      %get3A_174 = arith.index_cast %get3A_173 : i32 to index
      %get3A_175 = arith.index_cast %scan3A_108 : i32 to index
      %get3A_176 = arith.constant 48 : index
      %get3A_177 = tpu.vector_load %arg10[%get3A_174, %get3A_175, %get3A_176] {strides = array<i32>} : memref<2x80x128xf32, #tpu.memory_space<vmem>>, vector<1x1x16xf32>,
      %get3A_178 = vector.shape_cast %get3A_177 : vector<1x1x16xf32> to vector<16xf32>
      %add3A_179 = arith.addf %get3A_172, %get3A_178 : vector<16xf32>
      %swap3A_180 = arith.constant 0 : i32
      %swap3A_181 = arith.index_cast %swap3A_180 : i32 to index
      %swap3A_182 = arith.index_cast %scan3A_108 : i32 to index
      %swap3A_183 = arith.constant 48 : index
      %swap3A_184 = tpu.vector_load %arg9[%swap3A_181, %swap3A_182, %swap3A_183] {strides = array<i32>} : memref<2x80x128xf32, #tpu.memory_space<vmem>>, vector<1x1x16xf32>,
      %swap3A_185 = vector.shape_cast %swap3A_184 : vector<1x1x16xf32> to vector<16xf32>
      %swap3A_186 = vector.shape_cast %add3A_179 : vector<16xf32> to vector<1x1x16xf32>
      tpu.vector_store %arg9[%swap3A_181, %swap3A_182, %swap3A_183], %swap3A_186 {strides = array<i32>} : memref<2x80x128xf32, #tpu.memory_space<vmem>>, vector<1x1x16xf32>,
      %get3A_187 = arith.constant 0 : i32
      %get3A_188 = arith.index_cast %get3A_187 : i32 to index
      %get3A_189 = arith.index_cast %scan3A_108 : i32 to index
      %get3A_190 = arith.constant 64 : index
      %get3A_191 = tpu.vector_load %arg9[%get3A_188, %get3A_189, %get3A_190] {strides = array<i32>} : memref<2x80x128xf32, #tpu.memory_space<vmem>>, vector<1x1x16xf32>,
      %get3A_192 = vector.shape_cast %get3A_191 : vector<1x1x16xf32> to vector<16xf32>
      %get3A_193 = arith.constant 0 : i32
      %get3A_194 = arith.index_cast %get3A_193 : i32 to index
      %get3A_195 = arith.index_cast %scan3A_108 : i32 to index
      %get3A_196 = arith.constant 64 : index
      %get3A_197 = tpu.vector_load %arg10[%get3A_194, %get3A_195, %get3A_196] {strides = array<i32>} : memref<2x80x128xf32, #tpu.memory_space<vmem>>, vector<1x1x16xf32>,
      %get3A_198 = vector.shape_cast %get3A_197 : vector<1x1x16xf32> to vector<16xf32>
      %add3A_199 = arith.addf %get3A_192, %get3A_198 : vector<16xf32>
      %swap3A_200 = arith.constant 0 : i32
      %swap3A_201 = arith.index_cast %swap3A_200 : i32 to index
      %swap3A_202 = arith.index_cast %scan3A_108 : i32 to index
      %swap3A_203 = arith.constant 64 : index
      %swap3A_204 = tpu.vector_load %arg9[%swap3A_201, %swap3A_202, %swap3A_203] {strides = array<i32>} : memref<2x80x128xf32, #tpu.memory_space<vmem>>, vector<1x1x16xf32>,
      %swap3A_205 = vector.shape_cast %swap3A_204 : vector<1x1x16xf32> to vector<16xf32>
      %swap3A_206 = vector.shape_cast %add3A_199 : vector<16xf32> to vector<1x1x16xf32>
      tpu.vector_store %arg9[%swap3A_201, %swap3A_202, %swap3A_203], %swap3A_206 {strides = array<i32>} : memref<2x80x128xf32, #tpu.memory_space<vmem>>, vector<1x1x16xf32>,
      %get3A_207 = arith.constant 0 : i32
      %get3A_208 = arith.index_cast %get3A_207 : i32 to index
      %get3A_209 = arith.index_cast %scan3A_108 : i32 to index
      %get3A_210 = arith.constant 80 : index
      %get3A_211 = tpu.vector_load %arg9[%get3A_208, %get3A_209, %get3A_210] {strides = array<i32>} : memref<2x80x128xf32, #tpu.memory_space<vmem>>, vector<1x1x16xf32>,
      %get3A_212 = vector.shape_cast %get3A_211 : vector<1x1x16xf32> to vector<16xf32>
      %get3A_213 = arith.constant 0 : i32
      %get3A_214 = arith.index_cast %get3A_213 : i32 to index
      %get3A_215 = arith.index_cast %scan3A_108 : i32 to index
      %get3A_216 = arith.constant 80 : index
      %get3A_217 = tpu.vector_load %arg10[%get3A_214, %get3A_215, %get3A_216] {strides = array<i32>} : memref<2x80x128xf32, #tpu.memory_space<vmem>>, vector<1x1x16xf32>,
      %get3A_218 = vector.shape_cast %get3A_217 : vector<1x1x16xf32> to vector<16xf32>
      %add3A_219 = arith.addf %get3A_212, %get3A_218 : vector<16xf32>
      %swap3A_220 = arith.constant 0 : i32
      %swap3A_221 = arith.index_cast %swap3A_220 : i32 to index
      %swap3A_222 = arith.index_cast %scan3A_108 : i32 to index
      %swap3A_223 = arith.constant 80 : index
      %swap3A_224 = tpu.vector_load %arg9[%swap3A_221, %swap3A_222, %swap3A_223] {strides = array<i32>} : memref<2x80x128xf32, #tpu.memory_space<vmem>>, vector<1x1x16xf32>,
      %swap3A_225 = vector.shape_cast %swap3A_224 : vector<1x1x16xf32> to vector<16xf32>
      %swap3A_226 = vector.shape_cast %add3A_219 : vector<16xf32> to vector<1x1x16xf32>
      tpu.vector_store %arg9[%swap3A_221, %swap3A_222, %swap3A_223], %swap3A_226 {strides = array<i32>} : memref<2x80x128xf32, #tpu.memory_space<vmem>>, vector<1x1x16xf32>,
      %get3A_227 = arith.constant 0 : i32
      %get3A_228 = arith.index_cast %get3A_227 : i32 to index
      %get3A_229 = arith.index_cast %scan3A_108 : i32 to index
      %get3A_230 = arith.constant 96 : index
      %get3A_231 = tpu.vector_load %arg9[%get3A_228, %get3A_229, %get3A_230] {strides = array<i32>} : memref<2x80x128xf32, #tpu.memory_space<vmem>>, vector<1x1x16xf32>,
      %get3A_232 = vector.shape_cast %get3A_231 : vector<1x1x16xf32> to vector<16xf32>
      %get3A_233 = arith.constant 0 : i32
      %get3A_234 = arith.index_cast %get3A_233 : i32 to index
      %get3A_235 = arith.index_cast %scan3A_108 : i32 to index
      %get3A_236 = arith.constant 96 : index
      %get3A_237 = tpu.vector_load %arg10[%get3A_234, %get3A_235, %get3A_236] {strides = array<i32>} : memref<2x80x128xf32, #tpu.memory_space<vmem>>, vector<1x1x16xf32>,
      %get3A_238 = vector.shape_cast %get3A_237 : vector<1x1x16xf32> to vector<16xf32>
      %add3A_239 = arith.addf %get3A_232, %get3A_238 : vector<16xf32>
      %swap3A_240 = arith.constant 0 : i32
      %swap3A_241 = arith.index_cast %swap3A_240 : i32 to index
      %swap3A_242 = arith.index_cast %scan3A_108 : i32 to index
      %swap3A_243 = arith.constant 96 : index
      %swap3A_244 = tpu.vector_load %arg9[%swap3A_241, %swap3A_242, %swap3A_243] {strides = array<i32>} : memref<2x80x128xf32, #tpu.memory_space<vmem>>, vector<1x1x16xf32>,
      %swap3A_245 = vector.shape_cast %swap3A_244 : vector<1x1x16xf32> to vector<16xf32>
      %swap3A_246 = vector.shape_cast %add3A_239 : vector<16xf32> to vector<1x1x16xf32>
      tpu.vector_store %arg9[%swap3A_241, %swap3A_242, %swap3A_243], %swap3A_246 {strides = array<i32>} : memref<2x80x128xf32, #tpu.memory_space<vmem>>, vector<1x1x16xf32>,
      %get3A_247 = arith.constant 0 : i32
      %get3A_248 = arith.index_cast %get3A_247 : i32 to index
      %get3A_249 = arith.index_cast %scan3A_108 : i32 to index
      %get3A_250 = arith.constant 112 : index
      %get3A_251 = tpu.vector_load %arg9[%get3A_248, %get3A_249, %get3A_250] {strides = array<i32>} : memref<2x80x128xf32, #tpu.memory_space<vmem>>, vector<1x1x16xf32>,
      %get3A_252 = vector.shape_cast %get3A_251 : vector<1x1x16xf32> to vector<16xf32>
      %get3A_253 = arith.constant 0 : i32
      %get3A_254 = arith.index_cast %get3A_253 : i32 to index
      %get3A_255 = arith.index_cast %scan3A_108 : i32 to index
      %get3A_256 = arith.constant 112 : index
      %get3A_257 = tpu.vector_load %arg10[%get3A_254, %get3A_255, %get3A_256] {strides = array<i32>} : memref<2x80x128xf32, #tpu.memory_space<vmem>>, vector<1x1x16xf32>,
      %get3A_258 = vector.shape_cast %get3A_257 : vector<1x1x16xf32> to vector<16xf32>
      %add3A_259 = arith.addf %get3A_252, %get3A_258 : vector<16xf32>
      %swap3A_260 = arith.constant 0 : i32
      %swap3A_261 = arith.index_cast %swap3A_260 : i32 to index
      %swap3A_262 = arith.index_cast %scan3A_108 : i32 to index
      %swap3A_263 = arith.constant 112 : index
      %swap3A_264 = tpu.vector_load %arg9[%swap3A_261, %swap3A_262, %swap3A_263] {strides = array<i32>} : memref<2x80x128xf32, #tpu.memory_space<vmem>>, vector<1x1x16xf32>,
      %swap3A_265 = vector.shape_cast %swap3A_264 : vector<1x1x16xf32> to vector<16xf32>
      %swap3A_266 = vector.shape_cast %add3A_259 : vector<16xf32> to vector<1x1x16xf32>
      tpu.vector_store %arg9[%swap3A_261, %swap3A_262, %swap3A_263], %swap3A_266 {strides = array<i32>} : memref<2x80x128xf32, #tpu.memory_space<vmem>>, vector<1x1x16xf32>,
    }
    %scan3A_62 = arith.constant 80 : i32
    %add3A_63 = arith.constant 9920 : i32
    %add3A_64 = arith.addi %mul3A_2, %add3A_63 : i32
    %dma_start3A_65 = arith.constant 0 : i32
    %dma_start3A_66 = arith.constant 0 : i32
    %dma_start3A_67 = arith.constant 0 : i32
    %dma_start3A_68 = tpu.memref_slice %arg9[%dma_start3A_65, %dma_start3A_66, %dma_start3A_67] : memref<2x80x128xf32, #tpu.memory_space<vmem>> -> memref<1x80x128xf32, #tpu.memory_space<vmem>>
    %dma_start3A_69 = tpu.memref_squeeze %dma_start3A_68 : memref<1x80x128xf32, #tpu.memory_space<vmem>> -> memref<80x128xf32, #tpu.memory_space<vmem>>
    %dma_start3A_70 = arith.constant 0 : i32
    %dma_start3A_71 = tpu.memref_slice %arg6[%add3A_64, %dma_start3A_70] : memref<320000x128xf32, #tpu.memory_space<hbm>> -> memref<80x128xf32, #tpu.memory_space<hbm>>
    %dma_start3A_72 = arith.constant 0 : i32
    %dma_start3A_73 = tpu.memref_slice %arg6[%add3A_64, %dma_start3A_72] : memref<320000x128xf32, #tpu.memory_space<hbm>> -> memref<80x128xf32, #tpu.memory_space<hbm>>
    %dma_start3A_74 = arith.constant 0 : i32
    %dma_start3A_75 = arith.constant 0 : i32
    %dma_start3A_76 = tpu.memref_slice %arg9[%dma_start3A_65, %dma_start3A_74, %dma_start3A_75] : memref<2x80x128xf32, #tpu.memory_space<vmem>> -> memref<1x80x128xf32, #tpu.memory_space<vmem>>
    %dma_start3A_77 = tpu.memref_squeeze %dma_start3A_76 : memref<1x80x128xf32, #tpu.memory_space<vmem>> -> memref<80x128xf32, #tpu.memory_space<vmem>>
    tpu.enqueue_dma source(%dma_start3A_77 : memref<80x128xf32, #tpu.memory_space<vmem>>) target(%dma_start3A_73 : memref<80x128xf32, #tpu.memory_space<hbm>>) target_semaphore(%arg13 : memref<!tpu.dma_semaphore, #tpu.memory_space<semaphore_mem>>)
    %add3A_78 = arith.constant 9840 : i32
    %add3A_79 = arith.addi %mul3A_2, %add3A_78 : i32
    %dma_wait3A_80 = arith.constant 1 : i32
    %dma_wait3A_81 = arith.constant 0 : i32
    %dma_wait3A_82 = arith.constant 0 : i32
    %dma_wait3A_83 = tpu.memref_slice %arg9[%dma_wait3A_80, %dma_wait3A_81, %dma_wait3A_82] : memref<2x80x128xf32, #tpu.memory_space<vmem>> -> memref<1x80x128xf32, #tpu.memory_space<vmem>>
    %dma_wait3A_84 = tpu.memref_squeeze %dma_wait3A_83 : memref<1x80x128xf32, #tpu.memory_space<vmem>> -> memref<80x128xf32, #tpu.memory_space<vmem>>
    %dma_wait3A_85 = arith.constant 0 : i32
    %dma_wait3A_86 = tpu.memref_slice %arg6[%add3A_79, %dma_wait3A_85] : memref<320000x128xf32, #tpu.memory_space<hbm>> -> memref<80x128xf32, #tpu.memory_space<hbm>>
    %dma_wait3A_87 = arith.constant 0 : i32
    %dma_wait3A_88 = tpu.memref_slice %arg6[%add3A_79, %dma_wait3A_87] : memref<320000x128xf32, #tpu.memory_space<hbm>> -> memref<80x128xf32, #tpu.memory_space<hbm>>
    %dma_wait3A_89 = arith.constant 0 : i32
    %dma_wait3A_90 = arith.constant 0 : i32
    %dma_wait3A_91 = tpu.memref_slice %arg9[%dma_wait3A_80, %dma_wait3A_89, %dma_wait3A_90] : memref<2x80x128xf32, #tpu.memory_space<vmem>> -> memref<1x80x128xf32, #tpu.memory_space<vmem>>
    %dma_wait3A_92 = tpu.memref_squeeze %dma_wait3A_91 : memref<1x80x128xf32, #tpu.memory_space<vmem>> -> memref<80x128xf32, #tpu.memory_space<vmem>>
    tpu.wait_dma2 semaphore(%arg14 : memref<!tpu.dma_semaphore, #tpu.memory_space<semaphore_mem>>) src(%dma_wait3A_92 : memref<80x128xf32, #tpu.memory_space<vmem>>) dst(%dma_wait3A_88 : memref<80x128xf32, #tpu.memory_space<hbm>>)
    %add3A_93 = arith.constant 9920 : i32
    %add3A_94 = arith.addi %mul3A_2, %add3A_93 : i32
    %dma_wait3A_95 = arith.constant 0 : i32
    %dma_wait3A_96 = arith.constant 0 : i32
    %dma_wait3A_97 = arith.constant 0 : i32
    %dma_wait3A_98 = tpu.memref_slice %arg9[%dma_wait3A_95, %dma_wait3A_96, %dma_wait3A_97] : memref<2x80x128xf32, #tpu.memory_space<vmem>> -> memref<1x80x128xf32, #tpu.memory_space<vmem>>
    %dma_wait3A_99 = tpu.memref_squeeze %dma_wait3A_98 : memref<1x80x128xf32, #tpu.memory_space<vmem>> -> memref<80x128xf32, #tpu.memory_space<vmem>>
    %dma_wait3A_100 = arith.constant 0 : i32
    %dma_wait3A_101 = tpu.memref_slice %arg6[%add3A_94, %dma_wait3A_100] : memref<320000x128xf32, #tpu.memory_space<hbm>> -> memref<80x128xf32, #tpu.memory_space<hbm>>
    %dma_wait3A_102 = arith.constant 0 : i32
    %dma_wait3A_103 = tpu.memref_slice %arg6[%add3A_94, %dma_wait3A_102] : memref<320000x128xf32, #tpu.memory_space<hbm>> -> memref<80x128xf32, #tpu.memory_space<hbm>>
    %dma_wait3A_104 = arith.constant 0 : i32
    %dma_wait3A_105 = arith.constant 0 : i32
    %dma_wait3A_106 = tpu.memref_slice %arg9[%dma_wait3A_95, %dma_wait3A_104, %dma_wait3A_105] : memref<2x80x128xf32, #tpu.memory_space<vmem>> -> memref<1x80x128xf32, #tpu.memory_space<vmem>>
    %dma_wait3A_107 = tpu.memref_squeeze %dma_wait3A_106 : memref<1x80x128xf32, #tpu.memory_space<vmem>> -> memref<80x128xf32, #tpu.memory_space<vmem>>
    tpu.wait_dma2 semaphore(%arg13 : memref<!tpu.dma_semaphore, #tpu.memory_space<semaphore_mem>>) src(%dma_wait3A_107 : memref<80x128xf32, #tpu.memory_space<vmem>>) dst(%dma_wait3A_103 : memref<80x128xf32, #tpu.memory_space<hbm>>)
    return
  }
}

#map = affine_map<(d0, d1) -> (0, 0)>
#map1 = affine_map<(d0, d1) -> (0)>
module attributes {stable_mosaic.version = 14 : i64} {
  func.func @scatter_k(%arg0: i32, %arg1: i32, %arg2: memref<320000x128xf32, #tpu.memory_space<hbm>>, %arg3: memref<320000xi32, #tpu.memory_space<hbm>>, %arg4: memref<640x128xf32, #tpu.memory_space<hbm>>, %arg5: memref<20480x128xf32, #tpu.memory_space<hbm>>, %arg6: memref<2x80xi32, #tpu.memory_space<vmem>>, %arg7: memref<2x80x128xf32, #tpu.memory_space<vmem>>, %arg8: memref<10240x128xf32, #tpu.memory_space<vmem_shared>>, %arg9: memref<!tpu.dma_semaphore, #tpu.memory_space<semaphore_mem>>, %arg10: memref<!tpu.dma_semaphore, #tpu.memory_space<semaphore_mem>>) attributes {dimension_semantics = [#tpu.dimension_semantics<core_parallel>, #tpu.dimension_semantics<subcore_parallel>], iteration_bounds = array<i64: 2, 16>, scalar_prefetch = 0 : i64, scratch_operands = 5 : i64, tpu.core_type = #tpu.core_type<sc_vector_subcore>, window_params = [{transform_indices = #map}, {transform_indices = #map1}, {transform_indices = #map}, {transform_indices = #map}]} {
    %mul3A = arith.constant 640 : i32
    %mul3A_0 = arith.muli %arg1, %mul3A : i32
    "tpu.region"() ({
      %run_scoped3A_65 = tpu.sem_alloc : memref<!tpu.dma_semaphore, #tpu.memory_space<semaphore_mem>>
      %dma_start3A_66 = arith.constant 0 : i32
      %dma_start3A_67 = tpu.memref_slice %arg8[%mul3A_0, %dma_start3A_66] : memref<10240x128xf32, #tpu.memory_space<vmem_shared>> -> memref<640x128xf32, #tpu.memory_space<vmem_shared>>
      tpu.enqueue_dma source(%arg4 : memref<640x128xf32, #tpu.memory_space<hbm>>) target(%dma_start3A_67 : memref<640x128xf32, #tpu.memory_space<vmem_shared>>) target_semaphore(%run_scoped3A_65 : memref<!tpu.dma_semaphore, #tpu.memory_space<semaphore_mem>>)
      %dma_wait3A_68 = arith.constant 0 : i32
      %dma_wait3A_69 = tpu.memref_slice %arg8[%mul3A_0, %dma_wait3A_68] : memref<10240x128xf32, #tpu.memory_space<vmem_shared>> -> memref<640x128xf32, #tpu.memory_space<vmem_shared>>
      tpu.wait_dma2 semaphore(%run_scoped3A_65 : memref<!tpu.dma_semaphore, #tpu.memory_space<semaphore_mem>>) src(%arg4 : memref<640x128xf32, #tpu.memory_space<hbm>>) dst(%dma_wait3A_69 : memref<640x128xf32, #tpu.memory_space<vmem_shared>>)
      tpu.yield
    }) : () -> ()
    %barrier3A = arith.constant 0 : index
    tpu.barrier barrier_id(%barrier3A)
    %mul3A_1 = arith.constant 16 : i32
    %mul3A_2 = arith.muli %arg0, %mul3A_1 : i32
    %add3A = arith.addi %mul3A_2, %arg1 : i32
    %mul3A_3 = arith.constant 10000 : i32
    %mul3A_4 = arith.muli %add3A, %mul3A_3 : i32
    %add3A_5 = arith.constant 0 : i32
    %add3A_6 = arith.addi %mul3A_4, %add3A_5 : i32
    %dma_start3A = arith.constant 0 : i32
    %dma_start3A_7 = arith.constant 0 : i32
    %dma_start3A_8 = arith.constant 0 : i32
    %dma_start3A_9 = tpu.memref_slice %arg7[%dma_start3A, %dma_start3A_7, %dma_start3A_8] : memref<2x80x128xf32, #tpu.memory_space<vmem>> -> memref<1x80x128xf32, #tpu.memory_space<vmem>>
    %dma_start3A_10 = tpu.memref_squeeze %dma_start3A_9 : memref<1x80x128xf32, #tpu.memory_space<vmem>> -> memref<80x128xf32, #tpu.memory_space<vmem>>
    %dma_start3A_11 = arith.constant 0 : i32
    %dma_start3A_12 = tpu.memref_slice %arg2[%add3A_6, %dma_start3A_11] : memref<320000x128xf32, #tpu.memory_space<hbm>> -> memref<80x128xf32, #tpu.memory_space<hbm>>
    %dma_start3A_13 = arith.constant 0 : i32
    %dma_start3A_14 = arith.constant 0 : i32
    %dma_start3A_15 = tpu.memref_slice %arg7[%dma_start3A, %dma_start3A_13, %dma_start3A_14] : memref<2x80x128xf32, #tpu.memory_space<vmem>> -> memref<1x80x128xf32, #tpu.memory_space<vmem>>
    %dma_start3A_16 = tpu.memref_squeeze %dma_start3A_15 : memref<1x80x128xf32, #tpu.memory_space<vmem>> -> memref<80x128xf32, #tpu.memory_space<vmem>>
    %dma_start3A_17 = arith.constant 0 : i32
    %dma_start3A_18 = tpu.memref_slice %arg2[%add3A_6, %dma_start3A_17] : memref<320000x128xf32, #tpu.memory_space<hbm>> -> memref<80x128xf32, #tpu.memory_space<hbm>>
    tpu.enqueue_dma source(%dma_start3A_18 : memref<80x128xf32, #tpu.memory_space<hbm>>) target(%dma_start3A_16 : memref<80x128xf32, #tpu.memory_space<vmem>>) target_semaphore(%arg9 : memref<!tpu.dma_semaphore, #tpu.memory_space<semaphore_mem>>)
    %dma_start3A_19 = arith.constant 0 : i32
    %dma_start3A_20 = arith.constant 0 : i32
    %dma_start3A_21 = tpu.memref_slice %arg6[%dma_start3A_19, %dma_start3A_20] : memref<2x80xi32, #tpu.memory_space<vmem>> -> memref<1x80xi32, #tpu.memory_space<vmem>>
    %dma_start3A_22 = tpu.memref_squeeze %dma_start3A_21 : memref<1x80xi32, #tpu.memory_space<vmem>> -> memref<80xi32, #tpu.memory_space<vmem>>
    %dma_start3A_23 = tpu.memref_slice %arg3[%add3A_6] : memref<320000xi32, #tpu.memory_space<hbm>> -> memref<80xi32, #tpu.memory_space<hbm>>
    %dma_start3A_24 = arith.constant 0 : i32
    %dma_start3A_25 = tpu.memref_slice %arg6[%dma_start3A_19, %dma_start3A_24] : memref<2x80xi32, #tpu.memory_space<vmem>> -> memref<1x80xi32, #tpu.memory_space<vmem>>
    %dma_start3A_26 = tpu.memref_squeeze %dma_start3A_25 : memref<1x80xi32, #tpu.memory_space<vmem>> -> memref<80xi32, #tpu.memory_space<vmem>>
    %dma_start3A_27 = tpu.memref_slice %arg3[%add3A_6] : memref<320000xi32, #tpu.memory_space<hbm>> -> memref<80xi32, #tpu.memory_space<hbm>>
    tpu.enqueue_dma source(%dma_start3A_27 : memref<80xi32, #tpu.memory_space<hbm>>) target(%dma_start3A_26 : memref<80xi32, #tpu.memory_space<vmem>>) target_semaphore(%arg9 : memref<!tpu.dma_semaphore, #tpu.memory_space<semaphore_mem>>)
    %scan3A = arith.constant 0 : i32
    %scan3A_28 = arith.constant 0 : i32
    %scan3A_29 = arith.constant 62 : i32
    %scan3A_30 = arith.addi %scan3A_28, %scan3A_29 : i32
    %scan3A_31 = arith.constant 1 : i32
    scf.for %scan3A_65 = %scan3A_28 to %scan3A_30 step %scan3A_31  : i32 {
      %mul3A_66 = arith.constant 2 : i32
      %mul3A_67 = arith.muli %mul3A_66, %scan3A_65 : i32
      %add3A_68 = arith.constant 0 : i32
      %add3A_69 = arith.addi %mul3A_67, %add3A_68 : i32
      %add3A_70 = arith.constant 1 : i32
      %add3A_71 = arith.addi %add3A_69, %add3A_70 : i32
      %mul3A_72 = arith.constant 80 : i32
      %mul3A_73 = arith.muli %add3A_71, %mul3A_72 : i32
      %add3A_74 = arith.addi %mul3A_4, %mul3A_73 : i32
      %dma_start3A_75 = arith.constant 1 : i32
      %dma_start3A_76 = arith.constant 0 : i32
      %dma_start3A_77 = arith.constant 0 : i32
      %dma_start3A_78 = tpu.memref_slice %arg7[%dma_start3A_75, %dma_start3A_76, %dma_start3A_77] : memref<2x80x128xf32, #tpu.memory_space<vmem>> -> memref<1x80x128xf32, #tpu.memory_space<vmem>>
      %dma_start3A_79 = tpu.memref_squeeze %dma_start3A_78 : memref<1x80x128xf32, #tpu.memory_space<vmem>> -> memref<80x128xf32, #tpu.memory_space<vmem>>
      %dma_start3A_80 = arith.constant 0 : i32
      %dma_start3A_81 = tpu.memref_slice %arg2[%add3A_74, %dma_start3A_80] : memref<320000x128xf32, #tpu.memory_space<hbm>> -> memref<80x128xf32, #tpu.memory_space<hbm>>
      %dma_start3A_82 = arith.constant 0 : i32
      %dma_start3A_83 = arith.constant 0 : i32
      %dma_start3A_84 = tpu.memref_slice %arg7[%dma_start3A_75, %dma_start3A_82, %dma_start3A_83] : memref<2x80x128xf32, #tpu.memory_space<vmem>> -> memref<1x80x128xf32, #tpu.memory_space<vmem>>
      %dma_start3A_85 = tpu.memref_squeeze %dma_start3A_84 : memref<1x80x128xf32, #tpu.memory_space<vmem>> -> memref<80x128xf32, #tpu.memory_space<vmem>>
      %dma_start3A_86 = arith.constant 0 : i32
      %dma_start3A_87 = tpu.memref_slice %arg2[%add3A_74, %dma_start3A_86] : memref<320000x128xf32, #tpu.memory_space<hbm>> -> memref<80x128xf32, #tpu.memory_space<hbm>>
      tpu.enqueue_dma source(%dma_start3A_87 : memref<80x128xf32, #tpu.memory_space<hbm>>) target(%dma_start3A_85 : memref<80x128xf32, #tpu.memory_space<vmem>>) target_semaphore(%arg10 : memref<!tpu.dma_semaphore, #tpu.memory_space<semaphore_mem>>)
      %dma_start3A_88 = arith.constant 1 : i32
      %dma_start3A_89 = arith.constant 0 : i32
      %dma_start3A_90 = tpu.memref_slice %arg6[%dma_start3A_88, %dma_start3A_89] : memref<2x80xi32, #tpu.memory_space<vmem>> -> memref<1x80xi32, #tpu.memory_space<vmem>>
      %dma_start3A_91 = tpu.memref_squeeze %dma_start3A_90 : memref<1x80xi32, #tpu.memory_space<vmem>> -> memref<80xi32, #tpu.memory_space<vmem>>
      %dma_start3A_92 = tpu.memref_slice %arg3[%add3A_74] : memref<320000xi32, #tpu.memory_space<hbm>> -> memref<80xi32, #tpu.memory_space<hbm>>
      %dma_start3A_93 = arith.constant 0 : i32
      %dma_start3A_94 = tpu.memref_slice %arg6[%dma_start3A_88, %dma_start3A_93] : memref<2x80xi32, #tpu.memory_space<vmem>> -> memref<1x80xi32, #tpu.memory_space<vmem>>
      %dma_start3A_95 = tpu.memref_squeeze %dma_start3A_94 : memref<1x80xi32, #tpu.memory_space<vmem>> -> memref<80xi32, #tpu.memory_space<vmem>>
      %dma_start3A_96 = tpu.memref_slice %arg3[%add3A_74] : memref<320000xi32, #tpu.memory_space<hbm>> -> memref<80xi32, #tpu.memory_space<hbm>>
      tpu.enqueue_dma source(%dma_start3A_96 : memref<80xi32, #tpu.memory_space<hbm>>) target(%dma_start3A_95 : memref<80xi32, #tpu.memory_space<vmem>>) target_semaphore(%arg10 : memref<!tpu.dma_semaphore, #tpu.memory_space<semaphore_mem>>)
      %mul3A_97 = arith.constant 80 : i32
      %mul3A_98 = arith.muli %add3A_69, %mul3A_97 : i32
      %add3A_99 = arith.addi %mul3A_4, %mul3A_98 : i32
      %dma_wait3A_100 = arith.constant 0 : i32
      %dma_wait3A_101 = arith.constant 0 : i32
      %dma_wait3A_102 = arith.constant 0 : i32
      %dma_wait3A_103 = tpu.memref_slice %arg7[%dma_wait3A_100, %dma_wait3A_101, %dma_wait3A_102] : memref<2x80x128xf32, #tpu.memory_space<vmem>> -> memref<1x80x128xf32, #tpu.memory_space<vmem>>
      %dma_wait3A_104 = tpu.memref_squeeze %dma_wait3A_103 : memref<1x80x128xf32, #tpu.memory_space<vmem>> -> memref<80x128xf32, #tpu.memory_space<vmem>>
      %dma_wait3A_105 = arith.constant 0 : i32
      %dma_wait3A_106 = tpu.memref_slice %arg2[%add3A_99, %dma_wait3A_105] : memref<320000x128xf32, #tpu.memory_space<hbm>> -> memref<80x128xf32, #tpu.memory_space<hbm>>
      %dma_wait3A_107 = arith.constant 0 : i32
      %dma_wait3A_108 = arith.constant 0 : i32
      %dma_wait3A_109 = tpu.memref_slice %arg7[%dma_wait3A_100, %dma_wait3A_107, %dma_wait3A_108] : memref<2x80x128xf32, #tpu.memory_space<vmem>> -> memref<1x80x128xf32, #tpu.memory_space<vmem>>
      %dma_wait3A_110 = tpu.memref_squeeze %dma_wait3A_109 : memref<1x80x128xf32, #tpu.memory_space<vmem>> -> memref<80x128xf32, #tpu.memory_space<vmem>>
      %dma_wait3A_111 = arith.constant 0 : i32
      %dma_wait3A_112 = tpu.memref_slice %arg2[%add3A_99, %dma_wait3A_111] : memref<320000x128xf32, #tpu.memory_space<hbm>> -> memref<80x128xf32, #tpu.memory_space<hbm>>
      tpu.wait_dma2 semaphore(%arg9 : memref<!tpu.dma_semaphore, #tpu.memory_space<semaphore_mem>>) src(%dma_wait3A_112 : memref<80x128xf32, #tpu.memory_space<hbm>>) dst(%dma_wait3A_110 : memref<80x128xf32, #tpu.memory_space<vmem>>)
      %dma_wait3A_113 = arith.constant 0 : i32
      %dma_wait3A_114 = arith.constant 0 : i32
      %dma_wait3A_115 = tpu.memref_slice %arg6[%dma_wait3A_113, %dma_wait3A_114] : memref<2x80xi32, #tpu.memory_space<vmem>> -> memref<1x80xi32, #tpu.memory_space<vmem>>
      %dma_wait3A_116 = tpu.memref_squeeze %dma_wait3A_115 : memref<1x80xi32, #tpu.memory_space<vmem>> -> memref<80xi32, #tpu.memory_space<vmem>>
      %dma_wait3A_117 = tpu.memref_slice %arg3[%add3A_99] : memref<320000xi32, #tpu.memory_space<hbm>> -> memref<80xi32, #tpu.memory_space<hbm>>
      %dma_wait3A_118 = arith.constant 0 : i32
      %dma_wait3A_119 = tpu.memref_slice %arg6[%dma_wait3A_113, %dma_wait3A_118] : memref<2x80xi32, #tpu.memory_space<vmem>> -> memref<1x80xi32, #tpu.memory_space<vmem>>
      %dma_wait3A_120 = tpu.memref_squeeze %dma_wait3A_119 : memref<1x80xi32, #tpu.memory_space<vmem>> -> memref<80xi32, #tpu.memory_space<vmem>>
      %dma_wait3A_121 = tpu.memref_slice %arg3[%add3A_99] : memref<320000xi32, #tpu.memory_space<hbm>> -> memref<80xi32, #tpu.memory_space<hbm>>
      tpu.wait_dma2 semaphore(%arg9 : memref<!tpu.dma_semaphore, #tpu.memory_space<semaphore_mem>>) src(%dma_wait3A_121 : memref<80xi32, #tpu.memory_space<hbm>>) dst(%dma_wait3A_120 : memref<80xi32, #tpu.memory_space<vmem>>)
      %run_scoped3A_122 = arith.constant 0 : i32
      %run_scoped3A_123 = arith.constant 0 : i32
      "tpu.region"() ({
        %run_scoped3A_182 = tpu.sem_alloc : memref<!tpu.dma_semaphore, #tpu.memory_space<semaphore_mem>>
        %dma_start3A_183 = arith.constant 0 : i32
        %dma_start3A_184 = arith.constant 0 : i32
        %dma_start3A_185 = tpu.memref_slice %arg7[%run_scoped3A_122, %dma_start3A_183, %dma_start3A_184] : memref<2x80x128xf32, #tpu.memory_space<vmem>> -> memref<1x80x128xf32, #tpu.memory_space<vmem>>
        %dma_start3A_186 = tpu.memref_squeeze %dma_start3A_185 : memref<1x80x128xf32, #tpu.memory_space<vmem>> -> memref<80x128xf32, #tpu.memory_space<vmem>>
        %dma_start3A_187 = arith.constant 0 : i32
        %dma_start3A_188 = tpu.memref_slice %arg6[%run_scoped3A_123, %dma_start3A_187] : memref<2x80xi32, #tpu.memory_space<vmem>> -> memref<1x80xi32, #tpu.memory_space<vmem>>
        %dma_start3A_189 = tpu.memref_squeeze %dma_start3A_188 : memref<1x80xi32, #tpu.memory_space<vmem>> -> memref<80xi32, #tpu.memory_space<vmem>>
        %dma_start3A_190 = arith.constant 0 : i32
        %dma_start3A_191 = arith.constant 0 : i32
        %dma_start3A_192 = tpu.memref_slice %arg8[%dma_start3A_190, %dma_start3A_191] : memref<10240x128xf32, #tpu.memory_space<vmem_shared>> -> memref<10240x128xf32, #tpu.memory_space<vmem_shared>>
        tpu.enqueue_indirect_dma source(%dma_start3A_186 : memref<80x128xf32, #tpu.memory_space<vmem>>) target(%dma_start3A_192 : memref<10240x128xf32, #tpu.memory_space<vmem_shared>>) offsets(%dma_start3A_189 : memref<80xi32, #tpu.memory_space<vmem>>) semaphore(%run_scoped3A_182 : memref<!tpu.dma_semaphore, #tpu.memory_space<semaphore_mem>>) {add = true}
        %dma_wait3A_193 = arith.constant 0 : i32
        %dma_wait3A_194 = arith.constant 0 : i32
        %dma_wait3A_195 = tpu.memref_slice %arg7[%run_scoped3A_122, %dma_wait3A_193, %dma_wait3A_194] : memref<2x80x128xf32, #tpu.memory_space<vmem>> -> memref<1x80x128xf32, #tpu.memory_space<vmem>>
        %dma_wait3A_196 = tpu.memref_squeeze %dma_wait3A_195 : memref<1x80x128xf32, #tpu.memory_space<vmem>> -> memref<80x128xf32, #tpu.memory_space<vmem>>
        %dma_wait3A_197 = arith.constant 0 : i32
        %dma_wait3A_198 = tpu.memref_slice %arg6[%run_scoped3A_123, %dma_wait3A_197] : memref<2x80xi32, #tpu.memory_space<vmem>> -> memref<1x80xi32, #tpu.memory_space<vmem>>
        %dma_wait3A_199 = tpu.memref_squeeze %dma_wait3A_198 : memref<1x80xi32, #tpu.memory_space<vmem>> -> memref<80xi32, #tpu.memory_space<vmem>>
        %dma_wait3A_200 = arith.constant 0 : i32
        %dma_wait3A_201 = arith.constant 0 : i32
        %dma_wait3A_202 = tpu.memref_slice %arg8[%dma_wait3A_200, %dma_wait3A_201] : memref<10240x128xf32, #tpu.memory_space<vmem_shared>> -> memref<10240x128xf32, #tpu.memory_space<vmem_shared>>
        tpu.wait_indirect_dma semaphore(%run_scoped3A_182 : memref<!tpu.dma_semaphore, #tpu.memory_space<semaphore_mem>>) src(%dma_wait3A_196 : memref<80x128xf32, #tpu.memory_space<vmem>>) dst(%dma_wait3A_202 : memref<10240x128xf32, #tpu.memory_space<vmem_shared>>)
        tpu.yield
      }) : () -> ()
      %mul3A_124 = arith.constant 2 : i32
      %mul3A_125 = arith.muli %mul3A_124, %scan3A_65 : i32
      %add3A_126 = arith.constant 1 : i32
      %add3A_127 = arith.addi %mul3A_125, %add3A_126 : i32
      %add3A_128 = arith.constant 1 : i32
      %add3A_129 = arith.addi %add3A_127, %add3A_128 : i32
      %mul3A_130 = arith.constant 80 : i32
      %mul3A_131 = arith.muli %add3A_129, %mul3A_130 : i32
      %add3A_132 = arith.addi %mul3A_4, %mul3A_131 : i32
      %dma_start3A_133 = arith.constant 0 : i32
      %dma_start3A_134 = arith.constant 0 : i32
      %dma_start3A_135 = arith.constant 0 : i32
      %dma_start3A_136 = tpu.memref_slice %arg7[%dma_start3A_133, %dma_start3A_134, %dma_start3A_135] : memref<2x80x128xf32, #tpu.memory_space<vmem>> -> memref<1x80x128xf32, #tpu.memory_space<vmem>>
      %dma_start3A_137 = tpu.memref_squeeze %dma_start3A_136 : memref<1x80x128xf32, #tpu.memory_space<vmem>> -> memref<80x128xf32, #tpu.memory_space<vmem>>
      %dma_start3A_138 = arith.constant 0 : i32
      %dma_start3A_139 = tpu.memref_slice %arg2[%add3A_132, %dma_start3A_138] : memref<320000x128xf32, #tpu.memory_space<hbm>> -> memref<80x128xf32, #tpu.memory_space<hbm>>
      %dma_start3A_140 = arith.constant 0 : i32
      %dma_start3A_141 = arith.constant 0 : i32
      %dma_start3A_142 = tpu.memref_slice %arg7[%dma_start3A_133, %dma_start3A_140, %dma_start3A_141] : memref<2x80x128xf32, #tpu.memory_space<vmem>> -> memref<1x80x128xf32, #tpu.memory_space<vmem>>
      %dma_start3A_143 = tpu.memref_squeeze %dma_start3A_142 : memref<1x80x128xf32, #tpu.memory_space<vmem>> -> memref<80x128xf32, #tpu.memory_space<vmem>>
      %dma_start3A_144 = arith.constant 0 : i32
      %dma_start3A_145 = tpu.memref_slice %arg2[%add3A_132, %dma_start3A_144] : memref<320000x128xf32, #tpu.memory_space<hbm>> -> memref<80x128xf32, #tpu.memory_space<hbm>>
      tpu.enqueue_dma source(%dma_start3A_145 : memref<80x128xf32, #tpu.memory_space<hbm>>) target(%dma_start3A_143 : memref<80x128xf32, #tpu.memory_space<vmem>>) target_semaphore(%arg9 : memref<!tpu.dma_semaphore, #tpu.memory_space<semaphore_mem>>)
      %dma_start3A_146 = arith.constant 0 : i32
      %dma_start3A_147 = arith.constant 0 : i32
      %dma_start3A_148 = tpu.memref_slice %arg6[%dma_start3A_146, %dma_start3A_147] : memref<2x80xi32, #tpu.memory_space<vmem>> -> memref<1x80xi32, #tpu.memory_space<vmem>>
      %dma_start3A_149 = tpu.memref_squeeze %dma_start3A_148 : memref<1x80xi32, #tpu.memory_space<vmem>> -> memref<80xi32, #tpu.memory_space<vmem>>
      %dma_start3A_150 = tpu.memref_slice %arg3[%add3A_132] : memref<320000xi32, #tpu.memory_space<hbm>> -> memref<80xi32, #tpu.memory_space<hbm>>
      %dma_start3A_151 = arith.constant 0 : i32
      %dma_start3A_152 = tpu.memref_slice %arg6[%dma_start3A_146, %dma_start3A_151] : memref<2x80xi32, #tpu.memory_space<vmem>> -> memref<1x80xi32, #tpu.memory_space<vmem>>
      %dma_start3A_153 = tpu.memref_squeeze %dma_start3A_152 : memref<1x80xi32, #tpu.memory_space<vmem>> -> memref<80xi32, #tpu.memory_space<vmem>>
      %dma_start3A_154 = tpu.memref_slice %arg3[%add3A_132] : memref<320000xi32, #tpu.memory_space<hbm>> -> memref<80xi32, #tpu.memory_space<hbm>>
      tpu.enqueue_dma source(%dma_start3A_154 : memref<80xi32, #tpu.memory_space<hbm>>) target(%dma_start3A_153 : memref<80xi32, #tpu.memory_space<vmem>>) target_semaphore(%arg9 : memref<!tpu.dma_semaphore, #tpu.memory_space<semaphore_mem>>)
      %mul3A_155 = arith.constant 80 : i32
      %mul3A_156 = arith.muli %add3A_127, %mul3A_155 : i32
      %add3A_157 = arith.addi %mul3A_4, %mul3A_156 : i32
      %dma_wait3A_158 = arith.constant 1 : i32
      %dma_wait3A_159 = arith.constant 0 : i32
      %dma_wait3A_160 = arith.constant 0 : i32
      %dma_wait3A_161 = tpu.memref_slice %arg7[%dma_wait3A_158, %dma_wait3A_159, %dma_wait3A_160] : memref<2x80x128xf32, #tpu.memory_space<vmem>> -> memref<1x80x128xf32, #tpu.memory_space<vmem>>
      %dma_wait3A_162 = tpu.memref_squeeze %dma_wait3A_161 : memref<1x80x128xf32, #tpu.memory_space<vmem>> -> memref<80x128xf32, #tpu.memory_space<vmem>>
      %dma_wait3A_163 = arith.constant 0 : i32
      %dma_wait3A_164 = tpu.memref_slice %arg2[%add3A_157, %dma_wait3A_163] : memref<320000x128xf32, #tpu.memory_space<hbm>> -> memref<80x128xf32, #tpu.memory_space<hbm>>
      %dma_wait3A_165 = arith.constant 0 : i32
      %dma_wait3A_166 = arith.constant 0 : i32
      %dma_wait3A_167 = tpu.memref_slice %arg7[%dma_wait3A_158, %dma_wait3A_165, %dma_wait3A_166] : memref<2x80x128xf32, #tpu.memory_space<vmem>> -> memref<1x80x128xf32, #tpu.memory_space<vmem>>
      %dma_wait3A_168 = tpu.memref_squeeze %dma_wait3A_167 : memref<1x80x128xf32, #tpu.memory_space<vmem>> -> memref<80x128xf32, #tpu.memory_space<vmem>>
      %dma_wait3A_169 = arith.constant 0 : i32
      %dma_wait3A_170 = tpu.memref_slice %arg2[%add3A_157, %dma_wait3A_169] : memref<320000x128xf32, #tpu.memory_space<hbm>> -> memref<80x128xf32, #tpu.memory_space<hbm>>
      tpu.wait_dma2 semaphore(%arg10 : memref<!tpu.dma_semaphore, #tpu.memory_space<semaphore_mem>>) src(%dma_wait3A_170 : memref<80x128xf32, #tpu.memory_space<hbm>>) dst(%dma_wait3A_168 : memref<80x128xf32, #tpu.memory_space<vmem>>)
      %dma_wait3A_171 = arith.constant 1 : i32
      %dma_wait3A_172 = arith.constant 0 : i32
      %dma_wait3A_173 = tpu.memref_slice %arg6[%dma_wait3A_171, %dma_wait3A_172] : memref<2x80xi32, #tpu.memory_space<vmem>> -> memref<1x80xi32, #tpu.memory_space<vmem>>
      %dma_wait3A_174 = tpu.memref_squeeze %dma_wait3A_173 : memref<1x80xi32, #tpu.memory_space<vmem>> -> memref<80xi32, #tpu.memory_space<vmem>>
      %dma_wait3A_175 = tpu.memref_slice %arg3[%add3A_157] : memref<320000xi32, #tpu.memory_space<hbm>> -> memref<80xi32, #tpu.memory_space<hbm>>
      %dma_wait3A_176 = arith.constant 0 : i32
      %dma_wait3A_177 = tpu.memref_slice %arg6[%dma_wait3A_171, %dma_wait3A_176] : memref<2x80xi32, #tpu.memory_space<vmem>> -> memref<1x80xi32, #tpu.memory_space<vmem>>
      %dma_wait3A_178 = tpu.memref_squeeze %dma_wait3A_177 : memref<1x80xi32, #tpu.memory_space<vmem>> -> memref<80xi32, #tpu.memory_space<vmem>>
      %dma_wait3A_179 = tpu.memref_slice %arg3[%add3A_157] : memref<320000xi32, #tpu.memory_space<hbm>> -> memref<80xi32, #tpu.memory_space<hbm>>
      tpu.wait_dma2 semaphore(%arg10 : memref<!tpu.dma_semaphore, #tpu.memory_space<semaphore_mem>>) src(%dma_wait3A_179 : memref<80xi32, #tpu.memory_space<hbm>>) dst(%dma_wait3A_178 : memref<80xi32, #tpu.memory_space<vmem>>)
      %run_scoped3A_180 = arith.constant 1 : i32
      %run_scoped3A_181 = arith.constant 1 : i32
      "tpu.region"() ({
        %run_scoped3A_182 = tpu.sem_alloc : memref<!tpu.dma_semaphore, #tpu.memory_space<semaphore_mem>>
        %dma_start3A_183 = arith.constant 0 : i32
        %dma_start3A_184 = arith.constant 0 : i32
        %dma_start3A_185 = tpu.memref_slice %arg7[%run_scoped3A_180, %dma_start3A_183, %dma_start3A_184] : memref<2x80x128xf32, #tpu.memory_space<vmem>> -> memref<1x80x128xf32, #tpu.memory_space<vmem>>
        %dma_start3A_186 = tpu.memref_squeeze %dma_start3A_185 : memref<1x80x128xf32, #tpu.memory_space<vmem>> -> memref<80x128xf32, #tpu.memory_space<vmem>>
        %dma_start3A_187 = arith.constant 0 : i32
        %dma_start3A_188 = tpu.memref_slice %arg6[%run_scoped3A_181, %dma_start3A_187] : memref<2x80xi32, #tpu.memory_space<vmem>> -> memref<1x80xi32, #tpu.memory_space<vmem>>
        %dma_start3A_189 = tpu.memref_squeeze %dma_start3A_188 : memref<1x80xi32, #tpu.memory_space<vmem>> -> memref<80xi32, #tpu.memory_space<vmem>>
        %dma_start3A_190 = arith.constant 0 : i32
        %dma_start3A_191 = arith.constant 0 : i32
        %dma_start3A_192 = tpu.memref_slice %arg8[%dma_start3A_190, %dma_start3A_191] : memref<10240x128xf32, #tpu.memory_space<vmem_shared>> -> memref<10240x128xf32, #tpu.memory_space<vmem_shared>>
        tpu.enqueue_indirect_dma source(%dma_start3A_186 : memref<80x128xf32, #tpu.memory_space<vmem>>) target(%dma_start3A_192 : memref<10240x128xf32, #tpu.memory_space<vmem_shared>>) offsets(%dma_start3A_189 : memref<80xi32, #tpu.memory_space<vmem>>) semaphore(%run_scoped3A_182 : memref<!tpu.dma_semaphore, #tpu.memory_space<semaphore_mem>>) {add = true}
        %dma_wait3A_193 = arith.constant 0 : i32
        %dma_wait3A_194 = arith.constant 0 : i32
        %dma_wait3A_195 = tpu.memref_slice %arg7[%run_scoped3A_180, %dma_wait3A_193, %dma_wait3A_194] : memref<2x80x128xf32, #tpu.memory_space<vmem>> -> memref<1x80x128xf32, #tpu.memory_space<vmem>>
        %dma_wait3A_196 = tpu.memref_squeeze %dma_wait3A_195 : memref<1x80x128xf32, #tpu.memory_space<vmem>> -> memref<80x128xf32, #tpu.memory_space<vmem>>
        %dma_wait3A_197 = arith.constant 0 : i32
        %dma_wait3A_198 = tpu.memref_slice %arg6[%run_scoped3A_181, %dma_wait3A_197] : memref<2x80xi32, #tpu.memory_space<vmem>> -> memref<1x80xi32, #tpu.memory_space<vmem>>
        %dma_wait3A_199 = tpu.memref_squeeze %dma_wait3A_198 : memref<1x80xi32, #tpu.memory_space<vmem>> -> memref<80xi32, #tpu.memory_space<vmem>>
        %dma_wait3A_200 = arith.constant 0 : i32
        %dma_wait3A_201 = arith.constant 0 : i32
        %dma_wait3A_202 = tpu.memref_slice %arg8[%dma_wait3A_200, %dma_wait3A_201] : memref<10240x128xf32, #tpu.memory_space<vmem_shared>> -> memref<10240x128xf32, #tpu.memory_space<vmem_shared>>
        tpu.wait_indirect_dma semaphore(%run_scoped3A_182 : memref<!tpu.dma_semaphore, #tpu.memory_space<semaphore_mem>>) src(%dma_wait3A_196 : memref<80x128xf32, #tpu.memory_space<vmem>>) dst(%dma_wait3A_202 : memref<10240x128xf32, #tpu.memory_space<vmem_shared>>)
        tpu.yield
      }) : () -> ()
    }
    %scan3A_32 = arith.constant 62 : i32
    %add3A_33 = arith.constant 9920 : i32
    %add3A_34 = arith.addi %mul3A_4, %add3A_33 : i32
    %dma_wait3A = arith.constant 0 : i32
    %dma_wait3A_35 = arith.constant 0 : i32
    %dma_wait3A_36 = arith.constant 0 : i32
    %dma_wait3A_37 = tpu.memref_slice %arg7[%dma_wait3A, %dma_wait3A_35, %dma_wait3A_36] : memref<2x80x128xf32, #tpu.memory_space<vmem>> -> memref<1x80x128xf32, #tpu.memory_space<vmem>>
    %dma_wait3A_38 = tpu.memref_squeeze %dma_wait3A_37 : memref<1x80x128xf32, #tpu.memory_space<vmem>> -> memref<80x128xf32, #tpu.memory_space<vmem>>
    %dma_wait3A_39 = arith.constant 0 : i32
    %dma_wait3A_40 = tpu.memref_slice %arg2[%add3A_34, %dma_wait3A_39] : memref<320000x128xf32, #tpu.memory_space<hbm>> -> memref<80x128xf32, #tpu.memory_space<hbm>>
    %dma_wait3A_41 = arith.constant 0 : i32
    %dma_wait3A_42 = arith.constant 0 : i32
    %dma_wait3A_43 = tpu.memref_slice %arg7[%dma_wait3A, %dma_wait3A_41, %dma_wait3A_42] : memref<2x80x128xf32, #tpu.memory_space<vmem>> -> memref<1x80x128xf32, #tpu.memory_space<vmem>>
    %dma_wait3A_44 = tpu.memref_squeeze %dma_wait3A_43 : memref<1x80x128xf32, #tpu.memory_space<vmem>> -> memref<80x128xf32, #tpu.memory_space<vmem>>
    %dma_wait3A_45 = arith.constant 0 : i32
    %dma_wait3A_46 = tpu.memref_slice %arg2[%add3A_34, %dma_wait3A_45] : memref<320000x128xf32, #tpu.memory_space<hbm>> -> memref<80x128xf32, #tpu.memory_space<hbm>>
    tpu.wait_dma2 semaphore(%arg9 : memref<!tpu.dma_semaphore, #tpu.memory_space<semaphore_mem>>) src(%dma_wait3A_46 : memref<80x128xf32, #tpu.memory_space<hbm>>) dst(%dma_wait3A_44 : memref<80x128xf32, #tpu.memory_space<vmem>>)
    %dma_wait3A_47 = arith.constant 0 : i32
    %dma_wait3A_48 = arith.constant 0 : i32
    %dma_wait3A_49 = tpu.memref_slice %arg6[%dma_wait3A_47, %dma_wait3A_48] : memref<2x80xi32, #tpu.memory_space<vmem>> -> memref<1x80xi32, #tpu.memory_space<vmem>>
    %dma_wait3A_50 = tpu.memref_squeeze %dma_wait3A_49 : memref<1x80xi32, #tpu.memory_space<vmem>> -> memref<80xi32, #tpu.memory_space<vmem>>
    %dma_wait3A_51 = tpu.memref_slice %arg3[%add3A_34] : memref<320000xi32, #tpu.memory_space<hbm>> -> memref<80xi32, #tpu.memory_space<hbm>>
    %dma_wait3A_52 = arith.constant 0 : i32
    %dma_wait3A_53 = tpu.memref_slice %arg6[%dma_wait3A_47, %dma_wait3A_52] : memref<2x80xi32, #tpu.memory_space<vmem>> -> memref<1x80xi32, #tpu.memory_space<vmem>>
    %dma_wait3A_54 = tpu.memref_squeeze %dma_wait3A_53 : memref<1x80xi32, #tpu.memory_space<vmem>> -> memref<80xi32, #tpu.memory_space<vmem>>
    %dma_wait3A_55 = tpu.memref_slice %arg3[%add3A_34] : memref<320000xi32, #tpu.memory_space<hbm>> -> memref<80xi32, #tpu.memory_space<hbm>>
    tpu.wait_dma2 semaphore(%arg9 : memref<!tpu.dma_semaphore, #tpu.memory_space<semaphore_mem>>) src(%dma_wait3A_55 : memref<80xi32, #tpu.memory_space<hbm>>) dst(%dma_wait3A_54 : memref<80xi32, #tpu.memory_space<vmem>>)
    %run_scoped3A = arith.constant 0 : i32
    %run_scoped3A_56 = arith.constant 0 : i32
    "tpu.region"() ({
      %run_scoped3A_65 = tpu.sem_alloc : memref<!tpu.dma_semaphore, #tpu.memory_space<semaphore_mem>>
      %dma_start3A_66 = arith.constant 0 : i32
      %dma_start3A_67 = arith.constant 0 : i32
      %dma_start3A_68 = tpu.memref_slice %arg7[%run_scoped3A, %dma_start3A_66, %dma_start3A_67] : memref<2x80x128xf32, #tpu.memory_space<vmem>> -> memref<1x80x128xf32, #tpu.memory_space<vmem>>
      %dma_start3A_69 = tpu.memref_squeeze %dma_start3A_68 : memref<1x80x128xf32, #tpu.memory_space<vmem>> -> memref<80x128xf32, #tpu.memory_space<vmem>>
      %dma_start3A_70 = arith.constant 0 : i32
      %dma_start3A_71 = tpu.memref_slice %arg6[%run_scoped3A_56, %dma_start3A_70] : memref<2x80xi32, #tpu.memory_space<vmem>> -> memref<1x80xi32, #tpu.memory_space<vmem>>
      %dma_start3A_72 = tpu.memref_squeeze %dma_start3A_71 : memref<1x80xi32, #tpu.memory_space<vmem>> -> memref<80xi32, #tpu.memory_space<vmem>>
      %dma_start3A_73 = arith.constant 0 : i32
      %dma_start3A_74 = arith.constant 0 : i32
      %dma_start3A_75 = tpu.memref_slice %arg8[%dma_start3A_73, %dma_start3A_74] : memref<10240x128xf32, #tpu.memory_space<vmem_shared>> -> memref<10240x128xf32, #tpu.memory_space<vmem_shared>>
      tpu.enqueue_indirect_dma source(%dma_start3A_69 : memref<80x128xf32, #tpu.memory_space<vmem>>) target(%dma_start3A_75 : memref<10240x128xf32, #tpu.memory_space<vmem_shared>>) offsets(%dma_start3A_72 : memref<80xi32, #tpu.memory_space<vmem>>) semaphore(%run_scoped3A_65 : memref<!tpu.dma_semaphore, #tpu.memory_space<semaphore_mem>>) {add = true}
      %dma_wait3A_76 = arith.constant 0 : i32
      %dma_wait3A_77 = arith.constant 0 : i32
      %dma_wait3A_78 = tpu.memref_slice %arg7[%run_scoped3A, %dma_wait3A_76, %dma_wait3A_77] : memref<2x80x128xf32, #tpu.memory_space<vmem>> -> memref<1x80x128xf32, #tpu.memory_space<vmem>>
      %dma_wait3A_79 = tpu.memref_squeeze %dma_wait3A_78 : memref<1x80x128xf32, #tpu.memory_space<vmem>> -> memref<80x128xf32, #tpu.memory_space<vmem>>
      %dma_wait3A_80 = arith.constant 0 : i32
      %dma_wait3A_81 = tpu.memref_slice %arg6[%run_scoped3A_56, %dma_wait3A_80] : memref<2x80xi32, #tpu.memory_space<vmem>> -> memref<1x80xi32, #tpu.memory_space<vmem>>
      %dma_wait3A_82 = tpu.memref_squeeze %dma_wait3A_81 : memref<1x80xi32, #tpu.memory_space<vmem>> -> memref<80xi32, #tpu.memory_space<vmem>>
      %dma_wait3A_83 = arith.constant 0 : i32
      %dma_wait3A_84 = arith.constant 0 : i32
      %dma_wait3A_85 = tpu.memref_slice %arg8[%dma_wait3A_83, %dma_wait3A_84] : memref<10240x128xf32, #tpu.memory_space<vmem_shared>> -> memref<10240x128xf32, #tpu.memory_space<vmem_shared>>
      tpu.wait_indirect_dma semaphore(%run_scoped3A_65 : memref<!tpu.dma_semaphore, #tpu.memory_space<semaphore_mem>>) src(%dma_wait3A_79 : memref<80x128xf32, #tpu.memory_space<vmem>>) dst(%dma_wait3A_85 : memref<10240x128xf32, #tpu.memory_space<vmem_shared>>)
      tpu.yield
    }) : () -> ()
    %barrier3A_57 = arith.constant 0 : index
    tpu.barrier barrier_id(%barrier3A_57)
    %mul3A_58 = arith.constant 640 : i32
    %mul3A_59 = arith.muli %arg1, %mul3A_58 : i32
    %mul3A_60 = arith.constant 10240 : i32
    %mul3A_61 = arith.muli %arg0, %mul3A_60 : i32
    %mul3A_62 = arith.constant 640 : i32
    %mul3A_63 = arith.muli %arg1, %mul3A_62 : i32
    %add3A_64 = arith.addi %mul3A_61, %mul3A_63 : i32
    "tpu.region"() ({
      %run_scoped3A_65 = tpu.sem_alloc : memref<!tpu.dma_semaphore, #tpu.memory_space<semaphore_mem>>
      %dma_start3A_66 = arith.constant 0 : i32
      %dma_start3A_67 = tpu.memref_slice %arg5[%add3A_64, %dma_start3A_66] : memref<20480x128xf32, #tpu.memory_space<hbm>> -> memref<640x128xf32, #tpu.memory_space<hbm>>
      %dma_start3A_68 = arith.constant 0 : i32
      %dma_start3A_69 = tpu.memref_slice %arg8[%mul3A_59, %dma_start3A_68] : memref<10240x128xf32, #tpu.memory_space<vmem_shared>> -> memref<640x128xf32, #tpu.memory_space<vmem_shared>>
      tpu.enqueue_dma source(%dma_start3A_69 : memref<640x128xf32, #tpu.memory_space<vmem_shared>>) target(%dma_start3A_67 : memref<640x128xf32, #tpu.memory_space<hbm>>) target_semaphore(%run_scoped3A_65 : memref<!tpu.dma_semaphore, #tpu.memory_space<semaphore_mem>>)
      %dma_wait3A_70 = arith.constant 0 : i32
      %dma_wait3A_71 = tpu.memref_slice %arg5[%add3A_64, %dma_wait3A_70] : memref<20480x128xf32, #tpu.memory_space<hbm>> -> memref<640x128xf32, #tpu.memory_space<hbm>>
      %dma_wait3A_72 = arith.constant 0 : i32
      %dma_wait3A_73 = tpu.memref_slice %arg8[%mul3A_59, %dma_wait3A_72] : memref<10240x128xf32, #tpu.memory_space<vmem_shared>> -> memref<640x128xf32, #tpu.memory_space<vmem_shared>>
      tpu.wait_dma2 semaphore(%run_scoped3A_65 : memref<!tpu.dma_semaphore, #tpu.memory_space<semaphore_mem>>) src(%dma_wait3A_73 : memref<640x128xf32, #tpu.memory_space<vmem_shared>>) dst(%dma_wait3A_71 : memref<640x128xf32, #tpu.memory_space<hbm>>)
      tpu.yield
    }) : () -> ()
    return
  }
}

module attributes {stable_mosaic.version = 14 : i64} {
  func.func @body(%arg0: memref<10000x128xf32, #tpu.memory_space<vmem>>, %arg1: memref<128x128xf32, #tpu.memory_space<vmem>>, %arg2: memref<1x128xf32, #tpu.memory_space<vmem>>, %arg3: memref<128x128xf32, #tpu.memory_space<vmem>>, %arg4: memref<1x128xf32, #tpu.memory_space<vmem>>, %arg5: memref<128x128xf32, #tpu.memory_space<vmem>>, %arg6: memref<128x128xf32, #tpu.memory_space<vmem>>, %arg7: memref<128x128xf32, #tpu.memory_space<vmem>>, %arg8: memref<128x128xf32, #tpu.memory_space<vmem>>, %arg9: memref<1x128xf32, #tpu.memory_space<vmem>>, %arg10: memref<1x128xf32, #tpu.memory_space<vmem>>, %arg11: memref<10000x128xf32, #tpu.memory_space<vmem>>, %arg12: memref<10000x128xf32, #tpu.memory_space<vmem>>, %arg13: memref<10000x128xf32, #tpu.memory_space<vmem>>, %arg14: memref<128x128xf32, #tpu.memory_space<vmem>>, %arg15: memref<1x128xf32, #tpu.memory_space<vmem>>) attributes {dimension_semantics = [], scalar_prefetch = 0 : i64, scratch_operands = 0 : i64, tpu.core_type = #tpu.core_type<tc>} {
    %get3A = arith.constant 0 : index
    %get3A_0 = arith.constant 0 : index
    %get3A_1 = vector.load %arg0[%get3A, %get3A_0] : memref<10000x128xf32, #tpu.memory_space<vmem>>, vector<10000x128xf32>
    %get3A_2 = arith.constant 0 : index
    %get3A_3 = arith.constant 0 : index
    %get3A_4 = vector.load %arg1[%get3A_2, %get3A_3] : memref<128x128xf32, #tpu.memory_space<vmem>>, vector<128x128xf32>
    %dot_general3A = arith.constant dense<0.000000e+00> : vector<10000x128xf32>
    %dot_general3A_5 = tpu.matmul %get3A_1, %get3A_4, %dot_general3A {dimension_numbers = #tpu.dot_dimension_numbers<[1], [0], [0], [1], [0, 0, 1, 1], [], []>, precision = #tpu.contract_precision<fp32>, transpose_lhs_hint = false} : vector<10000x128xf32>, vector<128x128xf32>, vector<10000x128xf32> -> vector<10000x128xf32>
    %get3A_6 = arith.constant 0 : index
    %get3A_7 = arith.constant 0 : index
    %get3A_8 = vector.load %arg2[%get3A_6, %get3A_7] : memref<1x128xf32, #tpu.memory_space<vmem>>, vector<1x128xf32>
    %add3A = vector.broadcast %get3A_8 : vector<1x128xf32> to vector<10000x128xf32>
    %add3A_9 = arith.addf %dot_general3A_5, %add3A : vector<10000x128xf32>
    %max3A = arith.constant 0.000000e+00 : f32
    %max3A_10 = vector.broadcast %max3A : f32 to vector<10000x128xf32>
    %max3A_11 = arith.maximumf %add3A_9, %max3A_10 : vector<10000x128xf32>
    %get3A_12 = arith.constant 0 : index
    %get3A_13 = arith.constant 0 : index
    %get3A_14 = vector.load %arg3[%get3A_12, %get3A_13] : memref<128x128xf32, #tpu.memory_space<vmem>>, vector<128x128xf32>
    %dot_general3A_15 = arith.constant dense<0.000000e+00> : vector<10000x128xf32>
    %dot_general3A_16 = tpu.matmul %max3A_11, %get3A_14, %dot_general3A_15 {dimension_numbers = #tpu.dot_dimension_numbers<[1], [0], [0], [1], [0, 0, 1, 1], [], []>, precision = #tpu.contract_precision<fp32>, transpose_lhs_hint = false} : vector<10000x128xf32>, vector<128x128xf32>, vector<10000x128xf32> -> vector<10000x128xf32>
    %get3A_17 = arith.constant 0 : index
    %get3A_18 = arith.constant 0 : index
    %get3A_19 = vector.load %arg4[%get3A_17, %get3A_18] : memref<1x128xf32, #tpu.memory_space<vmem>>, vector<1x128xf32>
    %add3A_20 = vector.broadcast %get3A_19 : vector<1x128xf32> to vector<10000x128xf32>
    %add3A_21 = arith.addf %dot_general3A_16, %add3A_20 : vector<10000x128xf32>
    %swap3A = arith.constant 0 : index
    %swap3A_22 = arith.constant 0 : index
    %swap3A_23 = vector.load %arg11[%swap3A, %swap3A_22] : memref<10000x128xf32, #tpu.memory_space<vmem>>, vector<10000x128xf32>
    tpu.vector_store %arg11[%swap3A, %swap3A_22], %add3A_21 {strides = array<i32>} : memref<10000x128xf32, #tpu.memory_space<vmem>>, vector<10000x128xf32>,
    %get3A_24 = arith.constant 0 : index
    %get3A_25 = arith.constant 0 : index
    %get3A_26 = vector.load %arg5[%get3A_24, %get3A_25] : memref<128x128xf32, #tpu.memory_space<vmem>>, vector<128x128xf32>
    %dot_general3A_27 = arith.constant dense<0.000000e+00> : vector<10000x128xf32>
    %dot_general3A_28 = tpu.matmul %add3A_21, %get3A_26, %dot_general3A_27 {dimension_numbers = #tpu.dot_dimension_numbers<[1], [0], [0], [1], [0, 0, 1, 1], [], []>, precision = #tpu.contract_precision<fp32>, transpose_lhs_hint = false} : vector<10000x128xf32>, vector<128x128xf32>, vector<10000x128xf32> -> vector<10000x128xf32>
    %swap3A_29 = arith.constant 0 : index
    %swap3A_30 = arith.constant 0 : index
    %swap3A_31 = vector.load %arg12[%swap3A_29, %swap3A_30] : memref<10000x128xf32, #tpu.memory_space<vmem>>, vector<10000x128xf32>
    tpu.vector_store %arg12[%swap3A_29, %swap3A_30], %dot_general3A_28 {strides = array<i32>} : memref<10000x128xf32, #tpu.memory_space<vmem>>, vector<10000x128xf32>,
    %get3A_32 = arith.constant 0 : index
    %get3A_33 = arith.constant 0 : index
    %get3A_34 = vector.load %arg6[%get3A_32, %get3A_33] : memref<128x128xf32, #tpu.memory_space<vmem>>, vector<128x128xf32>
    %dot_general3A_35 = arith.constant dense<0.000000e+00> : vector<10000x128xf32>
    %dot_general3A_36 = tpu.matmul %add3A_21, %get3A_34, %dot_general3A_35 {dimension_numbers = #tpu.dot_dimension_numbers<[1], [0], [0], [1], [0, 0, 1, 1], [], []>, precision = #tpu.contract_precision<fp32>, transpose_lhs_hint = false} : vector<10000x128xf32>, vector<128x128xf32>, vector<10000x128xf32> -> vector<10000x128xf32>
    %swap3A_37 = arith.constant 0 : index
    %swap3A_38 = arith.constant 0 : index
    %swap3A_39 = vector.load %arg13[%swap3A_37, %swap3A_38] : memref<10000x128xf32, #tpu.memory_space<vmem>>, vector<10000x128xf32>
    tpu.vector_store %arg13[%swap3A_37, %swap3A_38], %dot_general3A_36 {strides = array<i32>} : memref<10000x128xf32, #tpu.memory_space<vmem>>, vector<10000x128xf32>,
    %get3A_40 = arith.constant 0 : index
    %get3A_41 = arith.constant 0 : index
    %get3A_42 = vector.load %arg7[%get3A_40, %get3A_41] : memref<128x128xf32, #tpu.memory_space<vmem>>, vector<128x128xf32>
    %get3A_43 = arith.constant 0 : index
    %get3A_44 = arith.constant 0 : index
    %get3A_45 = vector.load %arg8[%get3A_43, %get3A_44] : memref<128x128xf32, #tpu.memory_space<vmem>>, vector<128x128xf32>
    %dot_general3A_46 = arith.constant dense<0.000000e+00> : vector<128x128xf32>
    %dot_general3A_47 = tpu.matmul %get3A_42, %get3A_45, %dot_general3A_46 {dimension_numbers = #tpu.dot_dimension_numbers<[1], [0], [0], [1], [0, 0, 1, 1], [], []>, precision = #tpu.contract_precision<fp32>, transpose_lhs_hint = false} : vector<128x128xf32>, vector<128x128xf32>, vector<128x128xf32> -> vector<128x128xf32>
    %swap3A_48 = arith.constant 0 : index
    %swap3A_49 = arith.constant 0 : index
    %swap3A_50 = vector.load %arg14[%swap3A_48, %swap3A_49] : memref<128x128xf32, #tpu.memory_space<vmem>>, vector<128x128xf32>
    tpu.vector_store %arg14[%swap3A_48, %swap3A_49], %dot_general3A_47 {strides = array<i32>} : memref<128x128xf32, #tpu.memory_space<vmem>>, vector<128x128xf32>,
    %get3A_51 = arith.constant 0 : index
    %get3A_52 = arith.constant 0 : index
    %get3A_53 = vector.load %arg9[%get3A_51, %get3A_52] : memref<1x128xf32, #tpu.memory_space<vmem>>, vector<1x128xf32>
    %get3A_54 = arith.constant 0 : index
    %get3A_55 = arith.constant 0 : index
    %get3A_56 = vector.load %arg8[%get3A_54, %get3A_55] : memref<128x128xf32, #tpu.memory_space<vmem>>, vector<128x128xf32>
    %dot_general3A_57 = arith.constant dense<0.000000e+00> : vector<1x128xf32>
    %dot_general3A_58 = tpu.matmul %get3A_53, %get3A_56, %dot_general3A_57 {dimension_numbers = #tpu.dot_dimension_numbers<[1], [0], [0], [1], [0, 0, 1, 1], [], []>, precision = #tpu.contract_precision<fp32>, transpose_lhs_hint = false} : vector<1x128xf32>, vector<128x128xf32>, vector<1x128xf32> -> vector<1x128xf32>
    %get3A_59 = arith.constant 0 : index
    %get3A_60 = arith.constant 0 : index
    %get3A_61 = vector.load %arg10[%get3A_59, %get3A_60] : memref<1x128xf32, #tpu.memory_space<vmem>>, vector<1x128xf32>
    %add3A_62 = arith.addf %dot_general3A_58, %get3A_61 : vector<1x128xf32>
    %swap3A_63 = arith.constant 0 : index
    %swap3A_64 = arith.constant 0 : index
    %swap3A_65 = vector.load %arg15[%swap3A_63, %swap3A_64] : memref<1x128xf32, #tpu.memory_space<vmem>>, vector<1x128xf32>
    tpu.vector_store %arg15[%swap3A_63, %swap3A_64], %add3A_62 {strides = array<i32>} : memref<1x128xf32, #tpu.memory_space<vmem>>, vector<1x128xf32>,
    return
  }
}

module attributes {stable_mosaic.version = 14 : i64} {
  func.func @body(%arg0: i32, %arg1: memref<3200x16xf32, #tpu.memory_space<vmem>>, %arg2: memref<3200x128xf32, #tpu.memory_space<vmem>>, %arg3: memref<16x128xf32, #tpu.memory_space<vmem>>, %arg4: memref<1x128xf32, #tpu.memory_space<vmem>>, %arg5: memref<128x128xf32, #tpu.memory_space<vmem>>, %arg6: memref<1x128xf32, #tpu.memory_space<vmem>>, %arg7: memref<128x128xf32, #tpu.memory_space<vmem>>, %arg8: memref<1x128xf32, #tpu.memory_space<vmem>>, %arg9: memref<3200x128xf32, #tpu.memory_space<vmem>>) attributes {dimension_semantics = [#tpu.dimension_semantics<arbitrary>], iteration_bounds = array<i64: 100>, scalar_prefetch = 0 : i64, scratch_operands = 0 : i64, tpu.core_type = #tpu.core_type<tc>, window_params = [{transform_indices = @transform_0, window_bounds = array<i64: 3200, 16>}, {transform_indices = @transform_1, window_bounds = array<i64: 3200, 128>}, {pipeline_mode = #tpu.pipeline_mode<synchronous>, transform_indices = @transform_2, window_bounds = array<i64: 16, 128>}, {pipeline_mode = #tpu.pipeline_mode<synchronous>, transform_indices = @transform_3, window_bounds = array<i64: 1, 128>}, {pipeline_mode = #tpu.pipeline_mode<synchronous>, transform_indices = @transform_4, window_bounds = array<i64: 128, 128>}, {pipeline_mode = #tpu.pipeline_mode<synchronous>, transform_indices = @transform_5, window_bounds = array<i64: 1, 128>}, {pipeline_mode = #tpu.pipeline_mode<synchronous>, transform_indices = @transform_6, window_bounds = array<i64: 128, 128>}, {pipeline_mode = #tpu.pipeline_mode<synchronous>, transform_indices = @transform_7, window_bounds = array<i64: 1, 128>}, {transform_indices = @transform_8, window_bounds = array<i64: 3200, 128>}]} {
    %get3A = arith.constant 0 : index
    %get3A_0 = arith.constant 0 : index
    %get3A_1 = vector.load %arg1[%get3A, %get3A_0] : memref<3200x16xf32, #tpu.memory_space<vmem>>, vector<3200x16xf32>
    %get3A_2 = arith.constant 0 : index
    %get3A_3 = arith.constant 0 : index
    %get3A_4 = vector.load %arg3[%get3A_2, %get3A_3] : memref<16x128xf32, #tpu.memory_space<vmem>>, vector<16x128xf32>
    %dot_general3A = arith.constant dense<0.000000e+00> : vector<3200x128xf32>
    %dot_general3A_5 = tpu.matmul %get3A_1, %get3A_4, %dot_general3A {dimension_numbers = #tpu.dot_dimension_numbers<[1], [0], [0], [1], [0, 0, 1, 1], [], []>, transpose_lhs_hint = false} : vector<3200x16xf32>, vector<16x128xf32>, vector<3200x128xf32> -> vector<3200x128xf32>
    %get3A_6 = arith.constant 0 : index
    %get3A_7 = arith.constant 0 : index
    %get3A_8 = vector.load %arg4[%get3A_6, %get3A_7] : memref<1x128xf32, #tpu.memory_space<vmem>>, vector<1x128xf32>
    %add3A = vector.broadcast %get3A_8 : vector<1x128xf32> to vector<3200x128xf32>
    %add3A_9 = arith.addf %dot_general3A_5, %add3A : vector<3200x128xf32>
    %max3A = arith.constant 0.000000e+00 : f32
    %max3A_10 = vector.broadcast %max3A : f32 to vector<3200x128xf32>
    %max3A_11 = arith.maximumf %add3A_9, %max3A_10 : vector<3200x128xf32>
    %get3A_12 = arith.constant 0 : index
    %get3A_13 = arith.constant 0 : index
    %get3A_14 = vector.load %arg5[%get3A_12, %get3A_13] : memref<128x128xf32, #tpu.memory_space<vmem>>, vector<128x128xf32>
    %dot_general3A_15 = arith.constant dense<0.000000e+00> : vector<3200x128xf32>
    %dot_general3A_16 = tpu.matmul %max3A_11, %get3A_14, %dot_general3A_15 {dimension_numbers = #tpu.dot_dimension_numbers<[1], [0], [0], [1], [0, 0, 1, 1], [], []>, transpose_lhs_hint = false} : vector<3200x128xf32>, vector<128x128xf32>, vector<3200x128xf32> -> vector<3200x128xf32>
    %get3A_17 = arith.constant 0 : index
    %get3A_18 = arith.constant 0 : index
    %get3A_19 = vector.load %arg6[%get3A_17, %get3A_18] : memref<1x128xf32, #tpu.memory_space<vmem>>, vector<1x128xf32>
    %add3A_20 = vector.broadcast %get3A_19 : vector<1x128xf32> to vector<3200x128xf32>
    %add3A_21 = arith.addf %dot_general3A_16, %add3A_20 : vector<3200x128xf32>
    %get3A_22 = arith.constant 0 : index
    %get3A_23 = arith.constant 0 : index
    %get3A_24 = vector.load %arg2[%get3A_22, %get3A_23] : memref<3200x128xf32, #tpu.memory_space<vmem>>, vector<3200x128xf32>
    %add3A_25 = arith.addf %add3A_21, %get3A_24 : vector<3200x128xf32>
    %max3A_26 = arith.constant 0.000000e+00 : f32
    %max3A_27 = vector.broadcast %max3A_26 : f32 to vector<3200x128xf32>
    %max3A_28 = arith.maximumf %add3A_25, %max3A_27 : vector<3200x128xf32>
    %get3A_29 = arith.constant 0 : index
    %get3A_30 = arith.constant 0 : index
    %get3A_31 = vector.load %arg7[%get3A_29, %get3A_30] : memref<128x128xf32, #tpu.memory_space<vmem>>, vector<128x128xf32>
    %dot_general3A_32 = arith.constant dense<0.000000e+00> : vector<3200x128xf32>
    %dot_general3A_33 = tpu.matmul %max3A_28, %get3A_31, %dot_general3A_32 {dimension_numbers = #tpu.dot_dimension_numbers<[1], [0], [0], [1], [0, 0, 1, 1], [], []>, transpose_lhs_hint = false} : vector<3200x128xf32>, vector<128x128xf32>, vector<3200x128xf32> -> vector<3200x128xf32>
    %get3A_34 = arith.constant 0 : index
    %get3A_35 = arith.constant 0 : index
    %get3A_36 = vector.load %arg8[%get3A_34, %get3A_35] : memref<1x128xf32, #tpu.memory_space<vmem>>, vector<1x128xf32>
    %add3A_37 = vector.broadcast %get3A_36 : vector<1x128xf32> to vector<3200x128xf32>
    %add3A_38 = arith.addf %dot_general3A_33, %add3A_37 : vector<3200x128xf32>
    %swap3A = arith.constant 0 : index
    %swap3A_39 = arith.constant 0 : index
    %swap3A_40 = vector.load %arg9[%swap3A, %swap3A_39] : memref<3200x128xf32, #tpu.memory_space<vmem>>, vector<3200x128xf32>
    tpu.vector_store %arg9[%swap3A, %swap3A_39], %add3A_38 {strides = array<i32>} : memref<3200x128xf32, #tpu.memory_space<vmem>>, vector<3200x128xf32>,
    return
  }
  func.func @transform_0(%arg0: i32) -> (i32, i32) {
    %c0_i32 = arith.constant 0 : i32
    %c0_i32_0 = arith.constant 0 : i32
    return %arg0, %c0_i32 : i32, i32
  }
  func.func @transform_1(%arg0: i32) -> (i32, i32) {
    %c0_i32 = arith.constant 0 : i32
    %c0_i32_0 = arith.constant 0 : i32
    return %arg0, %c0_i32 : i32, i32
  }
  func.func @transform_2(%arg0: i32) -> (i32, i32) {
    %c0_i32 = arith.constant 0 : i32
    %c0_i32_0 = arith.constant 0 : i32
    %c0_i32_1 = arith.constant 0 : i32
    return %c0_i32, %c0_i32_0 : i32, i32
  }
  func.func @transform_3(%arg0: i32) -> (i32, i32) {
    %c0_i32 = arith.constant 0 : i32
    %c0_i32_0 = arith.constant 0 : i32
    %c0_i32_1 = arith.constant 0 : i32
    return %c0_i32, %c0_i32_0 : i32, i32
  }
  func.func @transform_4(%arg0: i32) -> (i32, i32) {
    %c0_i32 = arith.constant 0 : i32
    %c0_i32_0 = arith.constant 0 : i32
    %c0_i32_1 = arith.constant 0 : i32
    return %c0_i32, %c0_i32_0 : i32, i32
  }
  func.func @transform_5(%arg0: i32) -> (i32, i32) {
    %c0_i32 = arith.constant 0 : i32
    %c0_i32_0 = arith.constant 0 : i32
    %c0_i32_1 = arith.constant 0 : i32
    return %c0_i32, %c0_i32_0 : i32, i32
  }
  func.func @transform_6(%arg0: i32) -> (i32, i32) {
    %c0_i32 = arith.constant 0 : i32
    %c0_i32_0 = arith.constant 0 : i32
    %c0_i32_1 = arith.constant 0 : i32
    return %c0_i32, %c0_i32_0 : i32, i32
  }
  func.func @transform_7(%arg0: i32) -> (i32, i32) {
    %c0_i32 = arith.constant 0 : i32
    %c0_i32_0 = arith.constant 0 : i32
    %c0_i32_1 = arith.constant 0 : i32
    return %c0_i32, %c0_i32_0 : i32, i32
  }
  func.func @transform_8(%arg0: i32) -> (i32, i32) {
    %c0_i32 = arith.constant 0 : i32
    %c0_i32_0 = arith.constant 0 : i32
    return %arg0, %c0_i32 : i32, i32
  }
}

module attributes {stable_mosaic.version = 14 : i64} {
  func.func @body(%arg0: memref<10000x128xf32, #tpu.memory_space<vmem>>, %arg1: memref<10000x128xf32, #tpu.memory_space<vmem>>, %arg2: memref<10000x128xf32, #tpu.memory_space<vmem>>, %arg3: memref<10000x128xf32, #tpu.memory_space<vmem>>, %arg4: memref<128x128xf32, #tpu.memory_space<vmem>>, %arg5: memref<128x128xf32, #tpu.memory_space<vmem>>, %arg6: memref<1x128xf32, #tpu.memory_space<vmem>>, %arg7: memref<128x128xf32, #tpu.memory_space<vmem>>, %arg8: memref<1x128xf32, #tpu.memory_space<vmem>>, %arg9: memref<128x128xf32, #tpu.memory_space<vmem>>, %arg10: memref<1x128xf32, #tpu.memory_space<vmem>>, %arg11: memref<128x128xf32, #tpu.memory_space<vmem>>, %arg12: memref<1x128xf32, #tpu.memory_space<vmem>>, %arg13: memref<10000x128xf32, #tpu.memory_space<vmem>>) attributes {dimension_semantics = [], scalar_prefetch = 0 : i64, scratch_operands = 0 : i64, tpu.core_type = #tpu.core_type<tc>} {
    %get3A = arith.constant 0 : index
    %get3A_0 = arith.constant 0 : index
    %get3A_1 = vector.load %arg2[%get3A, %get3A_0] : memref<10000x128xf32, #tpu.memory_space<vmem>>, vector<10000x128xf32>
    %get3A_2 = arith.constant 0 : index
    %get3A_3 = arith.constant 0 : index
    %get3A_4 = vector.load %arg3[%get3A_2, %get3A_3] : memref<10000x128xf32, #tpu.memory_space<vmem>>, vector<10000x128xf32>
    %add3A = arith.addf %get3A_1, %get3A_4 : vector<10000x128xf32>
    %get3A_5 = arith.constant 0 : index
    %get3A_6 = arith.constant 0 : index
    %get3A_7 = vector.load %arg1[%get3A_5, %get3A_6] : memref<10000x128xf32, #tpu.memory_space<vmem>>, vector<10000x128xf32>
    %get3A_8 = arith.constant 0 : index
    %get3A_9 = arith.constant 0 : index
    %get3A_10 = vector.load %arg4[%get3A_8, %get3A_9] : memref<128x128xf32, #tpu.memory_space<vmem>>, vector<128x128xf32>
    %dot_general3A = arith.constant dense<0.000000e+00> : vector<10000x128xf32>
    %dot_general3A_11 = tpu.matmul %get3A_7, %get3A_10, %dot_general3A {dimension_numbers = #tpu.dot_dimension_numbers<[1], [0], [0], [1], [0, 0, 1, 1], [], []>, precision = #tpu.contract_precision<fp32>, transpose_lhs_hint = false} : vector<10000x128xf32>, vector<128x128xf32>, vector<10000x128xf32> -> vector<10000x128xf32>
    %get3A_12 = arith.constant 0 : index
    %get3A_13 = arith.constant 0 : index
    %get3A_14 = vector.load %arg5[%get3A_12, %get3A_13] : memref<128x128xf32, #tpu.memory_space<vmem>>, vector<128x128xf32>
    %dot_general3A_15 = arith.constant dense<0.000000e+00> : vector<10000x128xf32>
    %dot_general3A_16 = tpu.matmul %add3A, %get3A_14, %dot_general3A_15 {dimension_numbers = #tpu.dot_dimension_numbers<[1], [0], [0], [1], [0, 0, 1, 1], [], []>, precision = #tpu.contract_precision<fp32>, transpose_lhs_hint = false} : vector<10000x128xf32>, vector<128x128xf32>, vector<10000x128xf32> -> vector<10000x128xf32>
    %add3A_17 = arith.addf %dot_general3A_11, %dot_general3A_16 : vector<10000x128xf32>
    %get3A_18 = arith.constant 0 : index
    %get3A_19 = arith.constant 0 : index
    %get3A_20 = vector.load %arg6[%get3A_18, %get3A_19] : memref<1x128xf32, #tpu.memory_space<vmem>>, vector<1x128xf32>
    %add3A_21 = vector.broadcast %get3A_20 : vector<1x128xf32> to vector<10000x128xf32>
    %add3A_22 = arith.addf %add3A_17, %add3A_21 : vector<10000x128xf32>
    %max3A = arith.constant 0.000000e+00 : f32
    %max3A_23 = vector.broadcast %max3A : f32 to vector<10000x128xf32>
    %max3A_24 = arith.maximumf %add3A_22, %max3A_23 : vector<10000x128xf32>
    %get3A_25 = arith.constant 0 : index
    %get3A_26 = arith.constant 0 : index
    %get3A_27 = vector.load %arg7[%get3A_25, %get3A_26] : memref<128x128xf32, #tpu.memory_space<vmem>>, vector<128x128xf32>
    %dot_general3A_28 = arith.constant dense<0.000000e+00> : vector<10000x128xf32>
    %dot_general3A_29 = tpu.matmul %max3A_24, %get3A_27, %dot_general3A_28 {dimension_numbers = #tpu.dot_dimension_numbers<[1], [0], [0], [1], [0, 0, 1, 1], [], []>, precision = #tpu.contract_precision<fp32>, transpose_lhs_hint = false} : vector<10000x128xf32>, vector<128x128xf32>, vector<10000x128xf32> -> vector<10000x128xf32>
    %get3A_30 = arith.constant 0 : index
    %get3A_31 = arith.constant 0 : index
    %get3A_32 = vector.load %arg8[%get3A_30, %get3A_31] : memref<1x128xf32, #tpu.memory_space<vmem>>, vector<1x128xf32>
    %add3A_33 = vector.broadcast %get3A_32 : vector<1x128xf32> to vector<10000x128xf32>
    %add3A_34 = arith.addf %dot_general3A_29, %add3A_33 : vector<10000x128xf32>
    %get3A_35 = arith.constant 0 : index
    %get3A_36 = arith.constant 0 : index
    %get3A_37 = vector.load %arg9[%get3A_35, %get3A_36] : memref<128x128xf32, #tpu.memory_space<vmem>>, vector<128x128xf32>
    %dot_general3A_38 = arith.constant dense<0.000000e+00> : vector<10000x128xf32>
    %dot_general3A_39 = tpu.matmul %add3A_34, %get3A_37, %dot_general3A_38 {dimension_numbers = #tpu.dot_dimension_numbers<[1], [0], [0], [1], [0, 0, 1, 1], [], []>, precision = #tpu.contract_precision<fp32>, transpose_lhs_hint = false} : vector<10000x128xf32>, vector<128x128xf32>, vector<10000x128xf32> -> vector<10000x128xf32>
    %get3A_40 = arith.constant 0 : index
    %get3A_41 = arith.constant 0 : index
    %get3A_42 = vector.load %arg10[%get3A_40, %get3A_41] : memref<1x128xf32, #tpu.memory_space<vmem>>, vector<1x128xf32>
    %add3A_43 = vector.broadcast %get3A_42 : vector<1x128xf32> to vector<10000x128xf32>
    %add3A_44 = arith.addf %dot_general3A_39, %add3A_43 : vector<10000x128xf32>
    %max3A_45 = arith.constant 0.000000e+00 : f32
    %max3A_46 = vector.broadcast %max3A_45 : f32 to vector<10000x128xf32>
    %max3A_47 = arith.maximumf %add3A_44, %max3A_46 : vector<10000x128xf32>
    %get3A_48 = arith.constant 0 : index
    %get3A_49 = arith.constant 0 : index
    %get3A_50 = vector.load %arg11[%get3A_48, %get3A_49] : memref<128x128xf32, #tpu.memory_space<vmem>>, vector<128x128xf32>
    %dot_general3A_51 = arith.constant dense<0.000000e+00> : vector<10000x128xf32>
    %dot_general3A_52 = tpu.matmul %max3A_47, %get3A_50, %dot_general3A_51 {dimension_numbers = #tpu.dot_dimension_numbers<[1], [0], [0], [1], [0, 0, 1, 1], [], []>, precision = #tpu.contract_precision<fp32>, transpose_lhs_hint = false} : vector<10000x128xf32>, vector<128x128xf32>, vector<10000x128xf32> -> vector<10000x128xf32>
    %get3A_53 = arith.constant 0 : index
    %get3A_54 = arith.constant 0 : index
    %get3A_55 = vector.load %arg12[%get3A_53, %get3A_54] : memref<1x128xf32, #tpu.memory_space<vmem>>, vector<1x128xf32>
    %add3A_56 = vector.broadcast %get3A_55 : vector<1x128xf32> to vector<10000x128xf32>
    %add3A_57 = arith.addf %dot_general3A_52, %add3A_56 : vector<10000x128xf32>
    %get3A_58 = arith.constant 0 : index
    %get3A_59 = arith.constant 0 : index
    %get3A_60 = vector.load %arg0[%get3A_58, %get3A_59] : memref<10000x128xf32, #tpu.memory_space<vmem>>, vector<10000x128xf32>
    %add3A_61 = arith.addf %get3A_60, %add3A_57 : vector<10000x128xf32>
    %swap3A = arith.constant 0 : index
    %swap3A_62 = arith.constant 0 : index
    %swap3A_63 = vector.load %arg13[%swap3A, %swap3A_62] : memref<10000x128xf32, #tpu.memory_space<vmem>>, vector<10000x128xf32>
    tpu.vector_store %arg13[%swap3A, %swap3A_62], %add3A_61 {strides = array<i32>} : memref<10000x128xf32, #tpu.memory_space<vmem>>, vector<10000x128xf32>,
    return
  }
}

</mosaic_0001>

<sc_bundles>
// kernel: kernel.10.cloned.1.call-start
scs
__scs_entry_jumppad:
0x0: {  	(pc) =	sbr.rel $0x88, $3  }
0x1: {  	(tag) =	ssettag $0x0;
	lr =	simm.s32 $0x1  }
0x2: {  	[smem:$0x3F8A] =	sst lr;
	_ =	strace $0xD0000000  }
0x3: {  	_ = 	snop  }
0x4: {  	_ = 	snop  }
0x5: {  	_ = 	snop  }
0x6: {  	_ = 	snop  }
0x7: {  	_ = 	snop  }
__scs_overlays_trampoline_lowered:
0x8: {  	[smem:$0x3F99] =	sst s0  }
0x9: {  	[smem:$0x3F9A] =	sst s1  }
0xa: {  	[smem:$0x3F9B] =	sst s2  }
0xb: {  	[smem:$0x3F9C] =	sst s3  }
0xc: {  	[smem:$0x3F9D] =	sst s4  }
0xd: {  	[smem:$0x3F9E] =	sst s5  }
0xe: {  	[smem:$0x3F9F] =	sst s6  }
0xf: {  	[smem:$0x3FA0] =	sst s7  }
0x10: {  	[smem:$0x3FA1] =	sst s8  }
0x11: {  	[smem:$0x3FA2] =	sst s9;
	s0 =	simm.s32 @!p0 $0x0  }
0x12: {  	s1 =	sld [smem:$0x3F88];
	s0 =	simm.s32 @p0 $0x1  }
0x13: {  	[smem:$0x3FA3] =	sst s0;
	s0 =	simm.s32 @!p1 $0x0  }
0x14: {  	s2 =	sld [smem:$0x3F87];
	s0 =	simm.s32 @p1 $0x1  }
0x15: {  	[smem:$0x3FA4] =	sst s0;
	s0 =	simm.s32 @!p2 $0x0  }
0x16: {  	s3 =	sld [smem:$0x3FDB];
	s0 =	simm.s32 @p2 $0x1  }
0x17: {  	s4 =	simm.s32 $0x1BF5;
	[smem:$0x3FA6] =	sst s0  }
0x18: {  	s0 =	sld [smem:$0x3F89];
	_ =	swait.ge [sflag:s4], $0x0  }
0x19: {  	s7 =	sld [smem:$0x3F8A]  }
0x1a: {  	s8 =	sadd.s32 $0xFFFFE003, lr  }
0x1b: {  	s9 =	sadd.s32 $0xFFFFFEF7, lr;
	s5 =	simm.s32 $0xFFFFFFFF;
	p2 =	slt.u32 s8, $0xFFFFF086  }
0x1c: {  	p1 =	slt.u32 s9, $0xF7A;
	s5 =	simm.s32 @!p2 $0x0  }
0x1d: {  	s5 =	simm.s32 @p1 $0x1;
	p0 =	seq.s32 s7, s2  }
0x1e: {  	s7 =	smul.u32 @!p0 $0xF7A, s2;
	p2 =	seq.s32 @!p0 s5, $0x0  }
0x1f: {  	s9 =	smul.u32 $0xF7A, s1;
	s8 =	simm.s32 @!p0 $0x1BF5;
	p2 =	por !p2, p0  }
0x20: {  	[sflag:s8] =	ssyncset.s32 @!p0 $0xFFFFF086;
	s6 =	sadd.s32 @!p0 s3, s7;
	s7 =	simm.s32 @!p0 $0x108  }
0x21: {  	s3 =	sadd.s32 s3, s9;
	s6 =	sadd.s32 @!p0 $0x88, s6;
	s7 =	simm.s32 @p2 $0x1082  }
0x22: {  	[simem:s7], [sflag:s8] =	dma.local @!p0 [hbm:s6], $0xF7A  }
0x23: {  	s9 =	sor.u32 $0xD0000000, s2;
	s6 =	simm.s32 $0x108;
	_ =	swait.ge @!p0 [sflag:s8], $0x0  }
0x24: {  	s3 =	sadd.s32 $0x88, s3;
	s6 =	simm.s32 @!p1 $0x1082;
	[sflag:s4] =	ssyncset.s32 $0xFFFFF086  }
0x25: {  	[simem:s6], [sflag:s4] =	dma.local [hbm:s3], $0xF7A  }
0x26: {  	[smem:$0x3F8A] =	sst s1;
	(tag) =	ssettag s2;
	_ =	strace s9  }
0x27: {  	s1 =	sld [smem:$0x3F9A]  }
0x28: {  	s2 =	sld [smem:$0x3F9B]  }
0x29: {  	s4 =	sld [smem:$0x3F9D]  }
0x2a: {  	p0 =	seq.s32 s5, $0x0;
	s5 =	sld [smem:$0x3F9E]  }
0x2b: {  	s6 =	sld [smem:$0x3F9F]  }
0x2c: {  	s7 =	sld [smem:$0x3FA0]  }
0x2d: {  	s3 =	simm.s32 $0x108;
	s8 =	sld [smem:$0x3FA1]  }
0x2e: {  	s3 =	simm.s32 @!p0 $0x1082;
	s9 =	sld [smem:$0x3FA2]  }
0x2f: {  	lr =	sadd.s32 s0, s3;
	s0 =	sld [smem:$0x3F99]  }
0x30: {  	s3 =	sld [smem:$0x3F9C]  }
0x31: {  	[smem:$0x3FA5] =	sst s10  }
0x32: {  	s10 =	sld [smem:$0x3FA3];
	_ =	sdelay $0x3  }
0x33: {  	p0 =	seq.s32 s10, $0x1;
	s10 =	sld [smem:$0x3FA5];
	_ =	sdelay $0x3  }
0x34: {  	[smem:$0x3FA5] =	sst s10  }
0x35: {  	s10 =	sld [smem:$0x3FA4];
	_ =	sdelay $0x3  }
0x36: {  	p1 =	seq.s32 s10, $0x1;
	s10 =	sld [smem:$0x3FA5];
	_ =	sdelay $0x3  }
0x37: {  	[smem:$0x3FA5] =	sst s10  }
0x38: {  	s10 =	sld [smem:$0x3FA6]  }
0x39: {  	_ = 	snop;
	(pc) =	sbr.ind lr, $3  }
0x3a: {  	_ = 	snop  }
0x3b: {  	_ = 	snop  }
0x3c: {  	p2 =	seq.s32 s10, $0x1;
	s10 =	sld [smem:$0x3FA5]  }
0x3d: {  	_ =	shalt  }
0x3e: {  	_ =	shalt  }
0x3f: {  	_ =	shalt  }
0x40: {  	_ =	shalt  }
0x41: {  	_ =	shalt  }
0x42: {  	_ =	shalt  }
0x43: {  	_ =	shalt  }
0x44: {  	_ =	shalt  }
0x45: {  	_ =	shalt  }
0x46: {  	_ =	shalt  }
0x47: {  	_ =	shalt  }
0x48: {  	_ =	shalt  }
0x49: {  	_ =	shalt  }
0x4a: {  	_ =	shalt  }
0x4b: {  	_ =	shalt  }
0x4c: {  	_ =	shalt  }
0x4d: {  	_ =	shalt  }
0x4e: {  	_ =	shalt  }
0x4f: {  	_ =	shalt  }
0x50: {  	_ =	shalt  }
0x51: {  	_ =	shalt  }
0x52: {  	_ =	shalt  }
0x53: {  	_ =	shalt  }
0x54: {  	_ =	shalt  }
0x55: {  	_ =	shalt  }
0x56: {  	_ =	shalt  }
0x57: {  	_ =	shalt  }
0x58: {  	_ =	shalt  }
0x59: {  	_ =	shalt  }
0x5a: {  	_ =	shalt  }
0x5b: {  	_ =	shalt  }
0x5c: {  	_ =	shalt  }
0x5d: {  	_ =	shalt  }
0x5e: {  	_ =	shalt  }
0x5f: {  	_ =	shalt  }
0x60: {  	_ =	shalt  }
0x61: {  	_ =	shalt  }
0x62: {  	_ =	shalt  }
0x63: {  	_ =	shalt  }
0x64: {  	_ =	shalt  }
0x65: {  	_ =	shalt  }
0x66: {  	_ =	shalt  }
0x67: {  	_ =	shalt  }
0x68: {  	_ =	shalt  }
0x69: {  	_ =	shalt  }
0x6a: {  	_ =	shalt  }
0x6b: {  	_ =	shalt  }
0x6c: {  	_ =	shalt  }
0x6d: {  	_ =	shalt  }
0x6e: {  	_ =	shalt  }
0x6f: {  	_ =	shalt  }
0x70: {  	_ =	shalt  }
0x71: {  	_ =	shalt  }
0x72: {  	_ =	shalt  }
0x73: {  	_ =	shalt  }
0x74: {  	_ =	shalt  }
0x75: {  	_ =	shalt  }
0x76: {  	_ =	shalt  }
0x77: {  	_ =	shalt  }
0x78: {  	_ =	shalt  }
0x79: {  	_ =	shalt  }
0x7a: {  	_ =	shalt  }
0x7b: {  	_ =	shalt  }
0x7c: {  	_ =	shalt  }
0x7d: {  	_ =	shalt  }
0x7e: {  	_ =	shalt  }
0x7f: {  	_ =	shalt  }
0x80: {  	_ =	shalt  }
0x81: {  	_ =	shalt  }
0x82: {  	_ =	shalt  }
0x83: {  	_ =	shalt  }
0x84: {  	_ =	shalt  }
0x85: {  	_ =	shalt  }
0x86: {  	_ =	shalt  }
0x87: {  	_ =	shalt  }
.Lfunc_end0:
.L_simem_size_0:
called_computation.1_lowered:
.L_overlay_start_0:
0x88: {  	s2 =	sld [smem:$0x3FD9]  }
0x89: {  	s3 =	sld [smem:$0x3FFE];
	_ =	sdelay $0x1  }
0x8a: {  	s1 =	srdreg.scid  }
0x8b: {  	s0 =	sand.u32 $0x1, s1  }
0x8c: {  	s16 =	sshll.u32 s0, $0xA;
	s2 =	sadd.s32 s3, s2  }
0x8d: {  	s2 =	sadd.s32 s2, s16  }
0x8e: {  	[smem:$0x3FB1] =	sst s2  }
0x8f: {  	_ = 	snop  }
0x90: {  	(tm) =	ssettm $0x1  }
0x91: {  	s17 =	sld [smem:$0x3FFB];
	_ =	sdelay $0x3  }
0x92: {  	_ =	strace s17  }
0x93: {  	s2 =	sld [smem:$0x3FFC];
	_ =	sdelay $0x3  }
0x94: {  	_ =	strace s2  }
0x95: {  	s2 =	sld [smem:$0x3FFD];
	_ =	sdelay $0x3  }
0x96: {  	_ =	strace s2  }
0x97: {  	_ =	strace $0x8FFFFFFF  }
0x98: {  	s18 =	sld [smem:$0x3FDB];
	_ =	sdelay $0x1  }
0x99: {  	s19 =	simm.s32 $_scs_section_size  }
0x9a: {  	s4 =	simm.s32 $_size__tile_overlayer_lowered;
	s5 =	simm.s32 $_tile_overlayer_lowered  }
0x9b: {  	s22 =	simm.s32 $0x1BFF;
	s21 =	sshll.u32 s5, $0x1;
	s2 =	sadd.s32 s19, s18  }
0x9c: {  	s6 =	simm.s32 $0x0;
	s20 =	sshll.u32 s4, $0x1;
	s4 =	sadd.s32 s21, s2  }
0x9d: {  	[timem:s6], [sflag:s22] =	dma.local [hbm:s4], s20  }
0x9e: {  	_ =	swait.ge [sflag:s22], s20  }
0x9f: {  	s3 =	ssub.s32 $0x0, s20;
	[sflag:s22] =	ssyncset.done $0x0  }
0xa0: {  	[sflag:s22] =	ssyncadd.s32 s3;
	_ =	sdelay $0x1  }
0xa1: {  	s23 =	simm.s32 $0x1B8B  }
0xa2: {  	_ =	swait.ge [sflag:s23], $0x1  }
0xa3: {  	[sflag:s23] =	ssyncset.done $0x0  }
0xa4: {  	s25 =	simm.s32 $0x1B8E;
	s24 =	sld [smem:$0x3FFE];
	[sflag:s23] =	ssyncadd.s32 $0xFFFFFFFF  }
0xa5: {  	s26 =	simm.s32 $execute0_lowered;
	[smem:$0x3FD2] =	sst s25  }
0xa6: {  	s4 =	sshll.u32 s26, $0x1;
	_ =	strace $0x80000049;
	[dreg:$0x1] =	wrdreg $0xFFFFFFFF  }
0xa7: {  	s28 =	simm.s32 $_size_execute0_lowered;
	s2 =	sadd.s32 s2, s4;
	[dreg:$0x0] =	wrdreg $0x0  }
0xa8: {  	s4 =	sshll.u32 s28, $0x1;
	[dreg:$0x2] =	wrdreg s2  }
0xa9: {  	[dreg:$0x3] =	wrdreg s4  }
0xaa: {  	[dreg:$0x4] =	wrdreg $0xC0  }
0xab: {  	_ =	task [dreg:s6], $0x5FFFF  }
0xac: {  	[dreg:$0x1] =	wrdreg $0xFFFFFFFF  }
0xad: {  	[dreg:$0x0] =	wrdreg $0x60  }
0xae: {  	[dreg:$0x2] =	wrdreg s24  }
0xaf: {  	[dreg:$0x3] =	wrdreg $0x51000  }
0xb0: {  	[dreg:$0x4] =	wrdreg $0x9  }
0xb1: {  	_ =	task.clear_ibuf [dreg:s6], $0x5FFFF;
	_ =	strace $0x90000049  }
0xb2: {  	s29 =	simm.s32 $0x9;
	_ =	strace $0x8000004B  }
0xb3: {  	_ =	swait.ge [sflag:s29], $0x1  }
0xb4: {  	[sflag:s29] =	ssyncadd.s32 $0xFFFFFFFF  }
0xb5: {  	_ =	strace $0x9000004B  }
0xb6: {  	_ =	sfence  }
0xb7: {  	s30 =	sld [smem:$0x0];
	_ =	sdelay $0x2  }
0xb8: {  	s31 =	sshll.u32 s1, $0xD;
	s1 =	sshrl.u32 s1, $0x2  }
0xb9: {  	s3 =	sand.u32 $0x4000, s31;
	s1 =	sadd.s32 s1, s30  }
0xba: {  	s0 =	sor.u32 s3, s0;
	s1 =	sshll.u32 s1, $0x11  }
0xbb: {  	s0 =	sor.u32 s1, s0  }
0xbc: {  	s0 =	sadd.s32 $0x8F2B, s0  }
0xbd: {  	[sflag:s0] =	ssyncadd.remote.s32 $0x1  }
0xbe: {  	_ =	sfence.sel $0xFFFF  }
0xbf: {  	[dreg:$0x0] =	wrdreg $0xFFFFFFFF;
	(pc) =	sbr.abs _section_cstart, $3  }
0xc0: {  	[dreg:$0x1] =	wrdreg $0xFFFFFFFF  }
0xc1: {  	_ =	task.clear_ibuf [dreg:s6], $0x2FFFF;
	_ =	strace $0x9FFFFFFF  }
0xc2: {  	(tm) =	ssettm $0x7FFFFFFF  }
0xc3: {  	_ =	shalt  }
tec
execute0_lowered:
.L_overlay_start_1:
0x0: {  	(tag) =	ssettag $0x1  }
0x1: {  	s6 =	rddreg [dreg:$0x0]  }
0x2: {  	s1 =	rddreg [dreg:$0x1];
	s3 =	stileid.u32  }
0x3: {  	s0 =	rddreg [dreg:$0x2];
	s2 =	simm.s32 $0x0;
	s7 =	smul.u32 $0x2800, s3  }
0x4: {  	s5 =	srdreg.scid;
	s18 =	simm.s32 $0x80;
	s13 =	smul.u32 $0x50000, s3  }
0x5: {  	[smem:$0x7FF] =	sst s2;
	s10 =	sadd.s32 $0xA2B800, s6;
	s24 =	smul.u32 $0x2710, s3  }
0x6: {  	s4 =	sadd.s32 $0xEC00, s6;
	s8 =	sand.u32 $0x1, s5;
	s28 =	smul.u32 $0x27100, s3  }
0x7: {  	s5 =	sadd.s32 $0x4E00, s6;
	s22 =	sshll.u32 s3, $0x6;
	s9 =	smul.u32 $0x28000, s8  }
0x8: {  	_ =	strace $0x8000004A;
	s11 =	sshll.u32 s8, $0x4;
	s23 =	smul.u32 $0x27100, s8  }
0x9: {  	s12 =	ssub.s32 $0x2, s8;
	s26 =	smul.u32 $0x271000, s8;
	s11 =	sor.u32 s3, s11  }
0xa: {  	s19 =	sshrl.u32 s12, $0x1;
	s21 =	sshrl.u32 s13, $0x2;
	s14 =	smul.u32 $0x2710, s11  }
0xb: {  	s7 =	sadd.s32 s7, s9;
	s12 =	ssub.s32 s12, s19;
	s20 =	smul.u32 $0x27100, s11  }
0xc: {  	s16 =	sadd.s32 s21, s1;
	s17 =	sadd.s32 s24, s23;
	s29 =	sadd.s32 s26, s10  }
0xd: {  	s19 =	simm.s32 $0x1;
	s21 =	simm.s32 $0x2;
	s15 =	sadd.s32 s7, s6  }
0xe: {  	s6 =	sor.u32 $0x1C03, s22;
	s30 =	sadd.s32 $0x50, s17;
	s11 =	sadd.s32 s28, s29  }
0xf: {  	s22 =	simm.s32 $0x0;
	s7 =	sadd.s32 s10, s20;
	s25 =	sshrl.u32 s14, $0x3  }
0x10: {  	s9 =	sadd.s32 $0x18A00, s15;
	s10 =	smax.u32 s12, $0x1;
	s31 =	sshrl.u32 s30, $0x3  }
0x11: {  	s11 =	sadd.s32 $0xA00, s11;
	s12 =	sadd.s32 $0xA0, s17;
	s14 =	sshrl.u32 s16, $0x3  }
0x12: {  	s15 =	simm.s32 $0x3;
	s16 =	simm.s32 $0x100;
	s17 =	simm.s32 $0x2900  }
0x13: {  	s20 =	simm.s32 $0x50;
	s8 =	sadd.s32 s4, s25;
	s13 =	sadd.s32 s31, s4  }
.LBB2_1:
0x14: {  	[spmem:s14], [sflag:s6] =	dma.local [hbm:s5], $0x2800  }
0x15: {  	_ =	swait.ge [sflag:s15], $0x2800  }
0x16: {  	[sflag:s15] =	ssyncset.done $0x0  }
0x17: {  	[sflag:s15] =	ssyncadd.s32 $0xFFFFD800  }
0x18: {  	[bflag:$0x0] =	sbarrier.arrive $0xFFFF  }
0x19: {  	[tilespmem:s16], [sflag:$0x1] =	stream.linear.gather [hbm4b:s7+s2], $0x2800, $0x38;
	[tilespmem:$0x19100] =	vst v63  }
0x1a: {  	_ = 	snop  }
0x1b: {  	[tilespmem:s2], [sflag:$0x1] =	stream.linear.gather [hbm4b:s8+s2], $0x50, $0x38;
	[tilespmem:$0x19100] =	vst v63  }
0x1c: {  	s23 =	sadd.s32 $0xFFFFFB00, s11  }
0x1d: {  	[tilespmem:s17], [sflag:$0x2] =	stream.linear.gather [hbm4b:s23+s2], $0x2800, $0x38;
	[tilespmem:$0x19100] =	vst v63  }
0x1e: {  	s30 =	sadd.s32 $0x0, s13  }
0x1f: {  	[tilespmem:s18], [sflag:$0x2] =	stream.linear.gather [hbm4b:s30+s2], $0x50, $0x38;
	[tilespmem:$0x19100] =	vst v63  }
0x20: {  	_ =	swait.ge [sflag:s19], $0x2800  }
0x21: {  	[sflag:s19] =	ssyncset.done $0x0  }
0x22: {  	[sflag:s19] =	ssyncadd.s32 $0xFFFFD800  }
0x23: {  	_ =	swait.ge [sflag:s19], $0x50  }
0x24: {  	[sflag:s19] =	ssyncset.done $0x0  }
0x25: {  	[sflag:s19] =	ssyncadd.s32 $0xFFFFFFB0  }
0x26: {  	[spmem:s1] =	stream.indirect.scatter.add.f32 [tilespmem:s16], [sflag:$0x3], $0x80, s2, s20, $0xb8;
	[tilespmem:$0x19100] =	vst v63  }
0x27: {  	_ =	swait.ge [sflag:s15], $0x2800  }
0x28: {  	[sflag:s15] =	ssyncset.done $0x0  }
0x29: {  	s31 =	sshrl.u32 s12, $0x3;
	[sflag:s15] =	ssyncadd.s32 $0xFFFFD800  }
0x2a: {  	[tilespmem:s16], [sflag:$0x1] =	stream.linear.gather [hbm4b:s11+s2], $0x2800, $0x38;
	[tilespmem:$0x19100] =	vst v63  }
0x2b: {  	s23 =	sadd.s32 s4, s31  }
0x2c: {  	[tilespmem:s2], [sflag:$0x1] =	stream.linear.gather [hbm4b:s23+s2], $0x50, $0x38;
	[tilespmem:$0x19100] =	vst v63  }
0x2d: {  	_ =	swait.ge [sflag:s21], $0x2800  }
0x2e: {  	[sflag:s21] =	ssyncset.done $0x0  }
0x2f: {  	[sflag:s21] =	ssyncadd.s32 $0xFFFFD800  }
0x30: {  	_ =	swait.ge [sflag:s21], $0x50  }
0x31: {  	[sflag:s21] =	ssyncset.done $0x0  }
0x32: {  	[sflag:s21] =	ssyncadd.s32 $0xFFFFFFB0  }
0x33: {  	[spmem:s1] =	stream.indirect.scatter.add.f32 [tilespmem:s17], [sflag:$0x3], $0x80, s18, s20, $0xb8;
	[tilespmem:$0x19100] =	vst v63  }
0x34: {  	s25 =	simm.s32 $0x14;
	s26 =	simm.s32 $0x28;
	_ =	swait.ge [sflag:s15], $0x2800  }
0x35: {  	s24 =	smov.u32 s12;
	s23 =	sadd.s32 $0xA00, s11;
	[sflag:s15] =	ssyncset.done $0x0  }
.LBB2_2:
0x36: {  	s28 =	sadd.s32 $0xFFFFFB00, s23  }
0x37: {  	[sflag:s15] =	ssyncadd.s32 $0xFFFFD800;
	s24 =	sadd.s32 $0xA0, s24;
	s29 =	smov.u32 s26  }
0x38: {  	[tilespmem:s17], [sflag:$0x2] =	stream.linear.gather [hbm4b:s28+s2], $0x2800, $0x38;
	[tilespmem:$0x19100] =	vst v63  }
0x39: {  	p0 =	sne.s32 s26, $0x4C4;
	s26 =	sadd.s32 $0x14, s26;
	s25 =	sadd.s32 s25, s13  }
0x3a: {  	[tilespmem:s18], [sflag:$0x2] =	stream.linear.gather [hbm4b:s25+s2], $0x50, $0x38;
	[tilespmem:$0x19100] =	vst v63  }
0x3b: {  	s25 =	smov.u32 s29;
	_ =	swait.ge [sflag:s19], $0x2800  }
0x3c: {  	[sflag:s19] =	ssyncset.done $0x0  }
0x3d: {  	[sflag:s19] =	ssyncadd.s32 $0xFFFFD800  }
0x3e: {  	_ =	swait.ge [sflag:s19], $0x50  }
0x3f: {  	[sflag:s19] =	ssyncset.done $0x0  }
0x40: {  	[sflag:s19] =	ssyncadd.s32 $0xFFFFFFB0  }
0x41: {  	[spmem:s1] =	stream.indirect.scatter.add.f32 [tilespmem:s16], [sflag:$0x3], $0x80, s2, s20, $0xb8;
	[tilespmem:$0x19100] =	vst v63  }
0x42: {  	_ =	swait.ge [sflag:s15], $0x2800  }
0x43: {  	[sflag:s15] =	ssyncset.done $0x0  }
0x44: {  	s28 =	sshrl.u32 s24, $0x3;
	[sflag:s15] =	ssyncadd.s32 $0xFFFFD800  }
0x45: {  	[tilespmem:s16], [sflag:$0x1] =	stream.linear.gather [hbm4b:s23+s2], $0x2800, $0x38;
	[tilespmem:$0x19100] =	vst v63  }
0x46: {  	s28 =	sadd.s32 s4, s28  }
0x47: {  	[tilespmem:s2], [sflag:$0x1] =	stream.linear.gather [hbm4b:s28+s2], $0x50, $0x38;
	[tilespmem:$0x19100] =	vst v63  }
0x48: {  	_ =	swait.ge [sflag:s21], $0x2800  }
0x49: {  	[sflag:s21] =	ssyncset.done $0x0  }
0x4a: {  	[sflag:s21] =	ssyncadd.s32 $0xFFFFD800  }
0x4b: {  	_ =	swait.ge [sflag:s21], $0x50  }
.Ltmp0:
0x4c: {  	[sflag:s21] =	ssyncset.done $0x0;
	(pc) =	sbr.rel @p0 .LBB2_2-.Ltmp0, $4  }
0x4d: {  	[sflag:s21] =	ssyncadd.s32 $0xFFFFFFB0  }
0x4e: {  	[spmem:s1] =	stream.indirect.scatter.add.f32 [tilespmem:s17], [sflag:$0x3], $0x80, s18, s20, $0xb8;
	[tilespmem:$0x19100] =	vst v63  }
0x4f: {  	_ =	swait.ge [sflag:s15], $0x2800  }
0x50: {  	s23 =	sadd.s32 $0xA00, s23;
	[sflag:s15] =	ssyncset.done $0x0  }
0x51: {  	s26 =	sadd.s32 $0xFFFFFB00, s23;
	[sflag:s15] =	ssyncadd.s32 $0xFFFFD800  }
0x52: {  	[tilespmem:s17], [sflag:$0x2] =	stream.linear.gather [hbm4b:s26+s2], $0x2800, $0x38;
	[tilespmem:$0x19100] =	vst v63  }
0x53: {  	s25 =	sadd.s32 s25, s13  }
0x54: {  	[tilespmem:s18], [sflag:$0x2] =	stream.linear.gather [hbm4b:s25+s2], $0x50, $0x38;
	[tilespmem:$0x19100] =	vst v63  }
0x55: {  	_ =	swait.ge [sflag:s19], $0x2800  }
0x56: {  	[sflag:s19] =	ssyncset.done $0x0  }
0x57: {  	[sflag:s19] =	ssyncadd.s32 $0xFFFFD800  }
0x58: {  	_ =	swait.ge [sflag:s19], $0x50  }
0x59: {  	[sflag:s19] =	ssyncset.done $0x0  }
0x5a: {  	[sflag:s19] =	ssyncadd.s32 $0xFFFFFFB0  }
0x5b: {  	[spmem:s1] =	stream.indirect.scatter.add.f32 [tilespmem:s16], [sflag:$0x3], $0x80, s2, s20, $0xb8;
	[tilespmem:$0x19100] =	vst v63  }
0x5c: {  	_ =	swait.ge [sflag:s15], $0x2800  }
0x5d: {  	s24 =	sadd.s32 $0xA0, s24;
	[sflag:s15] =	ssyncset.done $0x0  }
0x5e: {  	s24 =	sshrl.u32 s24, $0x3;
	[sflag:s15] =	ssyncadd.s32 $0xFFFFD800  }
0x5f: {  	[tilespmem:s16], [sflag:$0x1] =	stream.linear.gather [hbm4b:s23+s2], $0x2800, $0x38;
	[tilespmem:$0x19100] =	vst v63  }
0x60: {  	s31 =	sadd.s32 s4, s24  }
0x61: {  	[tilespmem:s2], [sflag:$0x1] =	stream.linear.gather [hbm4b:s31+s2], $0x50, $0x38;
	[tilespmem:$0x19100] =	vst v63  }
0x62: {  	_ =	swait.ge [sflag:s21], $0x2800  }
0x63: {  	[sflag:s21] =	ssyncset.done $0x0  }
0x64: {  	[sflag:s21] =	ssyncadd.s32 $0xFFFFD800  }
0x65: {  	_ =	swait.ge [sflag:s21], $0x50  }
0x66: {  	[sflag:s21] =	ssyncset.done $0x0  }
0x67: {  	[sflag:s21] =	ssyncadd.s32 $0xFFFFFFB0  }
0x68: {  	[spmem:s1] =	stream.indirect.scatter.add.f32 [tilespmem:s17], [sflag:$0x3], $0x80, s18, s20, $0xb8;
	[tilespmem:$0x19100] =	vst v63  }
0x69: {  	_ =	swait.ge [sflag:s15], $0x2800  }
0x6a: {  	[sflag:s15] =	ssyncset.done $0x0  }
0x6b: {  	[sflag:s15] =	ssyncadd.s32 $0xFFFFD800  }
0x6c: {  	_ =	swait.ge [sflag:s19], $0x2800  }
0x6d: {  	[sflag:s19] =	ssyncset.done $0x0  }
0x6e: {  	[sflag:s19] =	ssyncadd.s32 $0xFFFFD800  }
0x6f: {  	_ =	swait.ge [sflag:s19], $0x50  }
0x70: {  	[sflag:s19] =	ssyncset.done $0x0  }
0x71: {  	[sflag:s19] =	ssyncadd.s32 $0xFFFFFFB0  }
0x72: {  	[spmem:s1] =	stream.indirect.scatter.add.f32 [tilespmem:s16], [sflag:$0x3], $0x80, s2, s20, $0xb8;
	[tilespmem:$0x19100] =	vst v63  }
0x73: {  	_ =	swait.ge [sflag:s15], $0x2800  }
0x74: {  	s22 =	sadd.s32 $0x1, s22;
	[sflag:s15] =	ssyncset.done $0x0  }
0x75: {  	p0 =	sne.s32 s22, s10;
	[sflag:s15] =	ssyncadd.s32 $0xFFFFD800  }
.Ltmp1:
0x76: {  	[bflag:$0x0] =	sbarrier.arrive $0xFFFF;
	(pc) =	sbr.rel @p0 .LBB2_1-.Ltmp1, $4  }
0x77: {  	[hbm:s9], [sflag:s6] =	dma.local [spmem:s14], $0x2800  }
0x78: {  	_ =	swait.ge [sflag:s15], $0x2800  }
0x79: {  	[sflag:s15] =	ssyncset.done $0x0  }
0x7a: {  	[sflag:s15] =	ssyncadd.s32 $0xFFFFD800  }
0x7b: {  	_ =	sfence.sel $0x180000  }
0x7c: {  	[bflag:$0x0] =	sbarrier.arrive $0xFFFF  }
0x7d: {  	p0 =	sne.s32 s3, $0x0;
	_ =	strace $0x9000004A  }
0x7e: {  	s0 =	sadd.s32 @!p0 $0x100000, s0;
	[bflag:$0x2] =	sbarrier.arrive $0xFFFF  }
0x7f: {  	[sflag:s0] =	ssyncadd.tile.s32 @!p0 $0x1;
	_ =	shalt  }
.Lfunc_end2:
_tile_overlayer_lowered:
.L_overlay_start_2:
0x80: {  	(tag) =	ssettag $0x2  }
0x81: {  	s0 =	rddreg [dreg:$0x0];
	s2 =	stileid.u32  }
0x82: {  	s1 =	rddreg [dreg:$0x1];
	p0 =	sne.s32 s2, $0x0  }
0x83: {  	s3 =	rddreg [dreg:$0x2];
	[bflag:$0x3] =	sbarrier.arrive $0xFFFF;
	s2 =	simm.s32 @!p0 $0x1C03  }
0x84: {  	[timem:s3], [sflag:s2] =	dma.local @!p0 [hbm:s0], s1  }
0x85: {  	s0 =	simm.s32 @!p0 $0x3  }
0x86: {  	_ =	swait.ge @!p0 [sflag:s0], s1  }
0x87: {  	s1 =	ssub.s32 @!p0 $0x0, s1;
	[sflag:s0] =	ssyncset.done @!p0 $0x0  }
0x88: {  	[sflag:s0] =	ssyncadd.s32 @!p0 s1  }
0x89: {  	[bflag:$0x3] =	sbarrier.arrive $0xFFFF  }
0x8a: {  	_ =	shalt  }

// kernel: kernel.7.cloned.1.call-start
scs
__scs_entry_jumppad:
0x0: {  	(pc) =	sbr.rel $0x88, $3  }
0x1: {  	(tag) =	ssettag $0x0;
	lr =	simm.s32 $0x1  }
0x2: {  	[smem:$0x3F8A] =	sst lr;
	_ =	strace $0xD0000000  }
0x3: {  	_ = 	snop  }
0x4: {  	_ = 	snop  }
0x5: {  	_ = 	snop  }
0x6: {  	_ = 	snop  }
0x7: {  	_ = 	snop  }
__scs_overlays_trampoline_lowered:
0x8: {  	[smem:$0x3F99] =	sst s0  }
0x9: {  	[smem:$0x3F9A] =	sst s1  }
0xa: {  	[smem:$0x3F9B] =	sst s2  }
0xb: {  	[smem:$0x3F9C] =	sst s3  }
0xc: {  	[smem:$0x3F9D] =	sst s4  }
0xd: {  	[smem:$0x3F9E] =	sst s5  }
0xe: {  	[smem:$0x3F9F] =	sst s6  }
0xf: {  	[smem:$0x3FA0] =	sst s7  }
0x10: {  	[smem:$0x3FA1] =	sst s8  }
0x11: {  	[smem:$0x3FA2] =	sst s9;
	s0 =	simm.s32 @!p0 $0x0  }
0x12: {  	s1 =	sld [smem:$0x3F88];
	s0 =	simm.s32 @p0 $0x1  }
0x13: {  	[smem:$0x3FA3] =	sst s0;
	s0 =	simm.s32 @!p1 $0x0  }
0x14: {  	s2 =	sld [smem:$0x3F87];
	s0 =	simm.s32 @p1 $0x1  }
0x15: {  	[smem:$0x3FA4] =	sst s0;
	s0 =	simm.s32 @!p2 $0x0  }
0x16: {  	s3 =	sld [smem:$0x3FDB];
	s0 =	simm.s32 @p2 $0x1  }
0x17: {  	s4 =	simm.s32 $0x1BF5;
	[smem:$0x3FA6] =	sst s0  }
0x18: {  	s0 =	sld [smem:$0x3F89];
	_ =	swait.ge [sflag:s4], $0x0  }
0x19: {  	s7 =	sld [smem:$0x3F8A]  }
0x1a: {  	s8 =	sadd.s32 $0xFFFFE003, lr  }
0x1b: {  	s9 =	sadd.s32 $0xFFFFFEF7, lr;
	s5 =	simm.s32 $0xFFFFFFFF;
	p2 =	slt.u32 s8, $0xFFFFF086  }
0x1c: {  	p1 =	slt.u32 s9, $0xF7A;
	s5 =	simm.s32 @!p2 $0x0  }
0x1d: {  	s5 =	simm.s32 @p1 $0x1;
	p0 =	seq.s32 s7, s2  }
0x1e: {  	s7 =	smul.u32 @!p0 $0xF7A, s2;
	p2 =	seq.s32 @!p0 s5, $0x0  }
0x1f: {  	s9 =	smul.u32 $0xF7A, s1;
	s8 =	simm.s32 @!p0 $0x1BF5;
	p2 =	por !p2, p0  }
0x20: {  	[sflag:s8] =	ssyncset.s32 @!p0 $0xFFFFF086;
	s6 =	sadd.s32 @!p0 s3, s7;
	s7 =	simm.s32 @!p0 $0x108  }
0x21: {  	s3 =	sadd.s32 s3, s9;
	s6 =	sadd.s32 @!p0 $0x88, s6;
	s7 =	simm.s32 @p2 $0x1082  }
0x22: {  	[simem:s7], [sflag:s8] =	dma.local @!p0 [hbm:s6], $0xF7A  }
0x23: {  	s9 =	sor.u32 $0xD0000000, s2;
	s6 =	simm.s32 $0x108;
	_ =	swait.ge @!p0 [sflag:s8], $0x0  }
0x24: {  	s3 =	sadd.s32 $0x88, s3;
	s6 =	simm.s32 @!p1 $0x1082;
	[sflag:s4] =	ssyncset.s32 $0xFFFFF086  }
0x25: {  	[simem:s6], [sflag:s4] =	dma.local [hbm:s3], $0xF7A  }
0x26: {  	[smem:$0x3F8A] =	sst s1;
	(tag) =	ssettag s2;
	_ =	strace s9  }
0x27: {  	s1 =	sld [smem:$0x3F9A]  }
0x28: {  	s2 =	sld [smem:$0x3F9B]  }
0x29: {  	s4 =	sld [smem:$0x3F9D]  }
0x2a: {  	p0 =	seq.s32 s5, $0x0;
	s5 =	sld [smem:$0x3F9E]  }
0x2b: {  	s6 =	sld [smem:$0x3F9F]  }
0x2c: {  	s7 =	sld [smem:$0x3FA0]  }
0x2d: {  	s3 =	simm.s32 $0x108;
	s8 =	sld [smem:$0x3FA1]  }
0x2e: {  	s3 =	simm.s32 @!p0 $0x1082;
	s9 =	sld [smem:$0x3FA2]  }
0x2f: {  	lr =	sadd.s32 s0, s3;
	s0 =	sld [smem:$0x3F99]  }
0x30: {  	s3 =	sld [smem:$0x3F9C]  }
0x31: {  	[smem:$0x3FA5] =	sst s10  }
0x32: {  	s10 =	sld [smem:$0x3FA3];
	_ =	sdelay $0x3  }
0x33: {  	p0 =	seq.s32 s10, $0x1;
	s10 =	sld [smem:$0x3FA5];
	_ =	sdelay $0x3  }
0x34: {  	[smem:$0x3FA5] =	sst s10  }
0x35: {  	s10 =	sld [smem:$0x3FA4];
	_ =	sdelay $0x3  }
0x36: {  	p1 =	seq.s32 s10, $0x1;
	s10 =	sld [smem:$0x3FA5];
	_ =	sdelay $0x3  }
0x37: {  	[smem:$0x3FA5] =	sst s10  }
0x38: {  	s10 =	sld [smem:$0x3FA6]  }
0x39: {  	_ = 	snop;
	(pc) =	sbr.ind lr, $3  }
0x3a: {  	_ = 	snop  }
0x3b: {  	_ = 	snop  }
0x3c: {  	p2 =	seq.s32 s10, $0x1;
	s10 =	sld [smem:$0x3FA5]  }
0x3d: {  	_ =	shalt  }
0x3e: {  	_ =	shalt  }
0x3f: {  	_ =	shalt  }
0x40: {  	_ =	shalt  }
0x41: {  	_ =	shalt  }
0x42: {  	_ =	shalt  }
0x43: {  	_ =	shalt  }
0x44: {  	_ =	shalt  }
0x45: {  	_ =	shalt  }
0x46: {  	_ =	shalt  }
0x47: {  	_ =	shalt  }
0x48: {  	_ =	shalt  }
0x49: {  	_ =	shalt  }
0x4a: {  	_ =	shalt  }
0x4b: {  	_ =	shalt  }
0x4c: {  	_ =	shalt  }
0x4d: {  	_ =	shalt  }
0x4e: {  	_ =	shalt  }
0x4f: {  	_ =	shalt  }
0x50: {  	_ =	shalt  }
0x51: {  	_ =	shalt  }
0x52: {  	_ =	shalt  }
0x53: {  	_ =	shalt  }
0x54: {  	_ =	shalt  }
0x55: {  	_ =	shalt  }
0x56: {  	_ =	shalt  }
0x57: {  	_ =	shalt  }
0x58: {  	_ =	shalt  }
0x59: {  	_ =	shalt  }
0x5a: {  	_ =	shalt  }
0x5b: {  	_ =	shalt  }
0x5c: {  	_ =	shalt  }
0x5d: {  	_ =	shalt  }
0x5e: {  	_ =	shalt  }
0x5f: {  	_ =	shalt  }
0x60: {  	_ =	shalt  }
0x61: {  	_ =	shalt  }
0x62: {  	_ =	shalt  }
0x63: {  	_ =	shalt  }
0x64: {  	_ =	shalt  }
0x65: {  	_ =	shalt  }
0x66: {  	_ =	shalt  }
0x67: {  	_ =	shalt  }
0x68: {  	_ =	shalt  }
0x69: {  	_ =	shalt  }
0x6a: {  	_ =	shalt  }
0x6b: {  	_ =	shalt  }
0x6c: {  	_ =	shalt  }
0x6d: {  	_ =	shalt  }
0x6e: {  	_ =	shalt  }
0x6f: {  	_ =	shalt  }
0x70: {  	_ =	shalt  }
0x71: {  	_ =	shalt  }
0x72: {  	_ =	shalt  }
0x73: {  	_ =	shalt  }
0x74: {  	_ =	shalt  }
0x75: {  	_ =	shalt  }
0x76: {  	_ =	shalt  }
0x77: {  	_ =	shalt  }
0x78: {  	_ =	shalt  }
0x79: {  	_ =	shalt  }
0x7a: {  	_ =	shalt  }
0x7b: {  	_ =	shalt  }
0x7c: {  	_ =	shalt  }
0x7d: {  	_ =	shalt  }
0x7e: {  	_ =	shalt  }
0x7f: {  	_ =	shalt  }
0x80: {  	_ =	shalt  }
0x81: {  	_ =	shalt  }
0x82: {  	_ =	shalt  }
0x83: {  	_ =	shalt  }
0x84: {  	_ =	shalt  }
0x85: {  	_ =	shalt  }
0x86: {  	_ =	shalt  }
0x87: {  	_ =	shalt  }
.Lfunc_end0:
.L_simem_size_0:
called_computation_lowered:
.L_overlay_start_0:
0x88: {  	s2 =	sld [smem:$0x3FD9]  }
0x89: {  	s3 =	sld [smem:$0x3FFE];
	_ =	sdelay $0x1  }
0x8a: {  	s1 =	srdreg.scid  }
0x8b: {  	s0 =	sand.u32 $0x1, s1  }
0x8c: {  	s16 =	sshll.u32 s0, $0xA;
	s2 =	sadd.s32 s3, s2  }
0x8d: {  	s2 =	sadd.s32 s2, s16  }
0x8e: {  	[smem:$0x3FB1] =	sst s2  }
0x8f: {  	_ = 	snop  }
0x90: {  	(tm) =	ssettm $0x1  }
0x91: {  	s17 =	sld [smem:$0x3FFB];
	_ =	sdelay $0x3  }
0x92: {  	_ =	strace s17  }
0x93: {  	s2 =	sld [smem:$0x3FFC];
	_ =	sdelay $0x3  }
0x94: {  	_ =	strace s2  }
0x95: {  	s2 =	sld [smem:$0x3FFD];
	_ =	sdelay $0x3  }
0x96: {  	_ =	strace s2  }
0x97: {  	_ =	strace $0x8FFFFFFF  }
0x98: {  	s18 =	sld [smem:$0x3FDB];
	_ =	sdelay $0x1  }
0x99: {  	s19 =	simm.s32 $_scs_section_size  }
0x9a: {  	s4 =	simm.s32 $_size__tile_overlayer_lowered;
	s5 =	simm.s32 $_tile_overlayer_lowered  }
0x9b: {  	s22 =	simm.s32 $0x1BFF;
	s21 =	sshll.u32 s5, $0x1;
	s2 =	sadd.s32 s19, s18  }
0x9c: {  	s6 =	simm.s32 $0x0;
	s20 =	sshll.u32 s4, $0x1;
	s4 =	sadd.s32 s21, s2  }
0x9d: {  	[timem:s6], [sflag:s22] =	dma.local [hbm:s4], s20  }
0x9e: {  	_ =	swait.ge [sflag:s22], s20  }
0x9f: {  	s3 =	ssub.s32 $0x0, s20;
	[sflag:s22] =	ssyncset.done $0x0  }
0xa0: {  	[sflag:s22] =	ssyncadd.s32 s3;
	_ =	sdelay $0x1  }
0xa1: {  	s23 =	simm.s32 $0x1B8B  }
0xa2: {  	_ =	swait.ge [sflag:s23], $0x1  }
0xa3: {  	[sflag:s23] =	ssyncset.done $0x0  }
0xa4: {  	s25 =	simm.s32 $0x1B8E;
	s24 =	sld [smem:$0x3FFE];
	[sflag:s23] =	ssyncadd.s32 $0xFFFFFFFF  }
0xa5: {  	s26 =	simm.s32 $execute0_lowered;
	[smem:$0x3FD2] =	sst s25  }
0xa6: {  	s4 =	sshll.u32 s26, $0x1;
	_ =	strace $0x80000046;
	[dreg:$0x1] =	wrdreg $0xFFFFFFFF  }
0xa7: {  	s28 =	simm.s32 $_size_execute0_lowered;
	s2 =	sadd.s32 s2, s4;
	[dreg:$0x0] =	wrdreg $0x0  }
0xa8: {  	s4 =	sshll.u32 s28, $0x1;
	[dreg:$0x2] =	wrdreg s2  }
0xa9: {  	[dreg:$0x3] =	wrdreg s4  }
0xaa: {  	[dreg:$0x4] =	wrdreg $0xC0  }
0xab: {  	_ =	task [dreg:s6], $0x5FFFF  }
0xac: {  	[dreg:$0x1] =	wrdreg $0xFFFFFFFF  }
0xad: {  	[dreg:$0x0] =	wrdreg $0x60  }
0xae: {  	[dreg:$0x2] =	wrdreg s24  }
0xaf: {  	[dreg:$0x3] =	wrdreg $0x9  }
0xb0: {  	_ =	task.clear_ibuf [dreg:s6], $0x4FFFF;
	_ =	strace $0x90000046  }
0xb1: {  	s29 =	simm.s32 $0x9;
	_ =	strace $0x80000048  }
0xb2: {  	_ =	swait.ge [sflag:s29], $0x1  }
0xb3: {  	[sflag:s29] =	ssyncadd.s32 $0xFFFFFFFF  }
0xb4: {  	_ =	strace $0x90000048  }
0xb5: {  	_ =	sfence  }
0xb6: {  	s30 =	sld [smem:$0x0];
	_ =	sdelay $0x2  }
0xb7: {  	s31 =	sshll.u32 s1, $0xD;
	s1 =	sshrl.u32 s1, $0x2  }
0xb8: {  	s3 =	sand.u32 $0x4000, s31;
	s1 =	sadd.s32 s1, s30  }
0xb9: {  	s0 =	sor.u32 s3, s0;
	s1 =	sshll.u32 s1, $0x11  }
0xba: {  	s0 =	sor.u32 s1, s0  }
0xbb: {  	s0 =	sadd.s32 $0x8F2B, s0  }
0xbc: {  	[sflag:s0] =	ssyncadd.remote.s32 $0x1  }
0xbd: {  	_ =	sfence.sel $0xFFFF  }
0xbe: {  	[dreg:$0x0] =	wrdreg $0xFFFFFFFF;
	(pc) =	sbr.abs _section_cstart, $3  }
0xbf: {  	[dreg:$0x1] =	wrdreg $0xFFFFFFFF  }
0xc0: {  	_ =	task.clear_ibuf [dreg:s6], $0x2FFFF;
	_ =	strace $0x9FFFFFFF  }
0xc1: {  	(tm) =	ssettm $0x7FFFFFFF  }
tec
execute0_lowered:
.L_overlay_start_1:
0x0: {  	(tag) =	ssettag $0x1  }
0x1: {  	s0 =	rddreg [dreg:$0x0];
	s2 =	simm.s32 $0x0  }
0x2: {  	s1 =	srdreg.scid;
	s3 =	stileid.u32;
	s15 =	simm.s32 $0x5  }
0x3: {  	s16 =	simm.s32 $0x100;
	s17 =	simm.s32 $0x50;
	s18 =	simm.s32 $0x200  }
0x4: {  	s19 =	simm.s32 $0x5200;
	s20 =	simm.s32 $0x80;
	s21 =	simm.s32 $0x180  }
0x5: {  	s22 =	simm.s32 $0x2A00;
	s23 =	simm.s32 $0x7A00;
	s24 =	simm.s32 $0x1  }
0x6: {  	s25 =	simm.s32 $0x3;
	s28 =	simm.s32 $0x4;
	s29 =	simm.s32 $0x0  }
0x7: {  	[smem:$0x7FF] =	sst s2;
	s1 =	sand.u32 $0x1, s1;
	s3 =	sshll.u32 s3, $0x1  }
0x8: {  	s4 =	sadd.s32 $0x3FC00, s0;
	s6 =	sadd.s32 $0xEC00, s0;
	s7 =	sor.u32 s1, s3  }
0x9: {  	s8 =	sadd.s32 $0x67800, s0;
	s1 =	ssub.s32 $0x2, s1;
	s5 =	smul.u32 $0x2710, s7  }
0xa: {  	_ =	strace $0x80000047;
	s9 =	smul.u32 $0x138800, s7;
	s26 =	sshrl.u32 s1, $0x1  }
0xb: {  	s3 =	sadd.s32 $0x18A00, s0;
	s7 =	sadd.s32 $0x4E00, s0;
	s0 =	ssub.s32 s1, s26  }
0xc: {  	s26 =	simm.s32 $0x2;
	s30 =	sshrl.u32 s5, $0x3;
	s9 =	sshrl.u32 s9, $0x3  }
0xd: {  	s11 =	sadd.s32 $0x50, s5;
	s12 =	sadd.s32 $0xA0, s5;
	s10 =	sadd.s32 s6, s30  }
0xe: {  	s1 =	sadd.s32 s7, s30;
	s31 =	sadd.s32 s8, s9;
	[dreg:$0x2] =	wrdreg s10  }
0xf: {  	s14 =	smax.u32 s0, $0x1;
	[dreg:$0x3] =	wrdreg s1;
	s13 =	sadd.s32 $0x26C00, s31  }
.LBB2_1:
0x10: {  	s0 =	rddreg [dreg:$0x2]  }
0x11: {  	[tilespmem:s2], [sflag:$0x5] =	stream.linear.gather [hbm4b:s0+s2], $0x50, $0x38;
	[tilespmem:$0xA200] =	vst v63  }
0x12: {  	_ =	swait.ge [sflag:s15], $0x50  }
0x13: {  	[sflag:s15] =	ssyncset.done $0x0  }
0x14: {  	s31 =	rddreg [dreg:$0x3];
	[sflag:s15] =	ssyncadd.s32 $0xFFFFFFB0  }
0x15: {  	[tilespmem:s16], [sflag:$0x5] =	stream.linear.gather [hbm4b:s31+s2], $0x50, $0x38;
	[tilespmem:$0xA200] =	vst v63  }
0x16: {  	_ =	swait.ge [sflag:s15], $0x50  }
0x17: {  	[sflag:s15] =	ssyncset.done $0x0  }
0x18: {  	[sflag:s15] =	ssyncadd.s32 $0xFFFFFFB0  }
0x19: {  	[tilespmem:s18], [sflag:$0x1] =	stream.indirect.gather [hbm4b:s3+s17], $0x80, s2, s17, $0xb8;
	[tilespmem:$0xA200] =	vst v63  }
0x1a: {  	s30 =	simm.s32 $0x0  }
0x1b: {  	[tilespmem:s19], [sflag:$0x1] =	stream.indirect.gather [hbm4b:s4+s17], $0x80, s16, s17, $0xb8;
	[tilespmem:$0xA200] =	vst v63  }
.LBB2_2:
0x1c: {  	s0 =	smul.u32 $0xA0, s30;
	_ =	sdelay $0x1  }
0x1d: {  	s31 =	sadd.s32 s0, s11  }
0x1e: {  	s1 =	sshrl.u32 s31, $0x3  }
0x1f: {  	s9 =	sadd.s32 s6, s1  }
0x20: {  	[tilespmem:s20], [sflag:$0x5] =	stream.linear.gather [hbm4b:s9+s2], $0x50, $0x38;
	[tilespmem:$0xA200] =	vst v63  }
0x21: {  	_ =	swait.ge [sflag:s15], $0x50  }
0x22: {  	[sflag:s15] =	ssyncset.done $0x0  }
0x23: {  	s1 =	sadd.s32 s7, s1;
	[sflag:s15] =	ssyncadd.s32 $0xFFFFFFB0  }
0x24: {  	[tilespmem:s21], [sflag:$0x5] =	stream.linear.gather [hbm4b:s1+s2], $0x50, $0x38;
	[tilespmem:$0xA200] =	vst v63  }
0x25: {  	_ =	swait.ge [sflag:s15], $0x50  }
0x26: {  	p0 =	seq.s32 s30, $0x0;
	[sflag:s15] =	ssyncset.done $0x0  }
0x27: {  	s1 =	simm.s32 @!p0 $0x4;
	[sflag:s15] =	ssyncadd.s32 $0xFFFFFFB0  }
0x28: {  	_ =	swait.ge @!p0 [sflag:s1], $0x2800  }
0x29: {  	[sflag:s1] =	ssyncset.done @!p0 $0x0  }
0x2a: {  	[sflag:s1] =	ssyncadd.s32 @!p0 $0xFFFFD800  }
0x2b: {  	[tilespmem:s22], [sflag:$0x2] =	stream.indirect.gather [hbm4b:s3+s17], $0x80, s20, s17, $0xb8;
	[tilespmem:$0xA200] =	vst v63  }
0x2c: {  	_ = 	snop  }
0x2d: {  	[tilespmem:s23], [sflag:$0x2] =	stream.indirect.gather [hbm4b:s4+s17], $0x80, s21, s17, $0xb8;
	[tilespmem:$0xA200] =	vst v63  }
0x2e: {  	_ =	swait.ge [sflag:s24], $0x2800  }
0x2f: {  	[sflag:s24] =	ssyncset.done $0x0  }
0x30: {  	[sflag:s24] =	ssyncadd.s32 $0xFFFFD800  }
0x31: {  	_ =	swait.ge [sflag:s24], $0x2800  }
0x32: {  	[sflag:s24] =	ssyncset.done $0x0  }
0x33: {  	s1 =	simm.s32 $0x0;
	[sflag:s24] =	ssyncadd.s32 $0xFFFFD800  }
0x34: {  	v7 =	vld [tilespmem:s1+$0x5200]  }
0x35: {  	v11 =	vld [tilespmem:s1+$0x5210]  }
0x36: {  	v5 =	vld [tilespmem:s1+$0x5220]  }
0x37: {  	v4 =	vld [tilespmem:s1+$0x5230]  }
0x38: {  	v3 =	vld [tilespmem:s1+$0x5240]  }
0x39: {  	v2 =	vld [tilespmem:s1+$0x5250]  }
0x3a: {  	v1 =	vld [tilespmem:s1+$0x5260]  }
0x3b: {  	v0 =	vld [tilespmem:s1+$0x5270]  }
0x3c: {  	v12 =	vld [tilespmem:s1+$0x200]  }
0x3d: {  	v13 =	vld [tilespmem:s1+$0x210]  }
0x3e: {  	v10 =	vld [tilespmem:s1+$0x220]  }
0x3f: {  	v9 =	vld [tilespmem:s1+$0x230]  }
0x40: {  	v8 =	vld [tilespmem:s1+$0x240]  }
0x41: {  	v6 =	vld [tilespmem:s1+$0x250];
	v12 =	vadd.f32 v7, v12  }
0x42: {  	s9 =	simm.s32 $0x200;
	v11 =	vadd.f32 v11, v13;
	v7 =	vld [tilespmem:s1+$0x260]  }
.LBB2_3:
0x43: {  	s10 =	sshra.s32 s9, $0x2;
	p0 =	sne.s32 s9, $0x9E00;
	[tilespmem:s1+$0x200] =	vst v12;
	v5 =	vadd.f32 v5, v10;
	v10 =	vld [tilespmem:s1+$0x270]  }
0x44: {  	v12 =	vld [tilespmem:s10+$0x5200];
	[tilespmem:s1+$0x210] =	vst v11;
	v4 =	vadd.f32 v4, v9  }
0x45: {  	v11 =	vld [tilespmem:s10+$0x5210];
	[tilespmem:s1+$0x220] =	vst v5;
	v3 =	vadd.f32 v3, v8  }
0x46: {  	v5 =	vld [tilespmem:s10+$0x5220];
	[tilespmem:s1+$0x230] =	vst v4;
	v2 =	vadd.f32 v2, v6  }
0x47: {  	v4 =	vld [tilespmem:s10+$0x5230];
	[tilespmem:s1+$0x240] =	vst v3;
	v1 =	vadd.f32 v1, v7  }
0x48: {  	v3 =	vld [tilespmem:s10+$0x5240];
	[tilespmem:s1+$0x250] =	vst v2;
	v0 =	vadd.f32 v0, v10  }
0x49: {  	v2 =	vld [tilespmem:s10+$0x5250];
	[tilespmem:s1+$0x260] =	vst v1  }
0x4a: {  	v1 =	vld [tilespmem:s10+$0x5260];
	[tilespmem:s1+$0x270] =	vst v0;
	s1 =	smov.u32 s10  }
0x4b: {  	v0 =	vld [tilespmem:s1+$0x5270]  }
0x4c: {  	v6 =	vld [tilespmem:s1+$0x200]  }
0x4d: {  	v7 =	vld [tilespmem:s1+$0x210]  }
.Ltmp0:
0x4e: {  	v10 =	vld [tilespmem:s1+$0x220];
	(pc) =	sbr.rel @p0 .LBB2_3-.Ltmp0, $4  }
0x4f: {  	v9 =	vld [tilespmem:s1+$0x230]  }
0x50: {  	v8 =	vld [tilespmem:s1+$0x240]  }
0x51: {  	v12 =	vadd.f32 v12, v6;
	v6 =	vld [tilespmem:s1+$0x250]  }
0x52: {  	s9 =	sadd.s32 $0x200, s9;
	v11 =	vadd.f32 v11, v7;
	v7 =	vld [tilespmem:s1+$0x260]  }
0x53: {  	[tilespmem:s1+$0x200] =	vst v12;
	v5 =	vadd.f32 v5, v10;
	v10 =	vld [tilespmem:s1+$0x270]  }
0x54: {  	[tilespmem:s1+$0x210] =	vst v11;
	v4 =	vadd.f32 v4, v9  }
0x55: {  	[tilespmem:s1+$0x220] =	vst v5;
	v3 =	vadd.f32 v3, v8  }
0x56: {  	[tilespmem:s1+$0x230] =	vst v4;
	v2 =	vadd.f32 v2, v6  }
0x57: {  	[tilespmem:s1+$0x240] =	vst v3;
	v1 =	vadd.f32 v1, v7  }
0x58: {  	s9 =	sadd.s32 s5, s0;
	[tilespmem:s1+$0x250] =	vst v2;
	v0 =	vadd.f32 v0, v10  }
0x59: {  	s9 =	sshll.u32 s9, $0x4;
	[tilespmem:s1+$0x260] =	vst v1  }
0x5a: {  	s10 =	sadd.s32 s8, s9;
	s9 =	simm.s32 $0x0;
	[tilespmem:s1+$0x270] =	vst v0;
	s1 =	sadd.s32 s0, s12  }
0x5b: {  	[hbm4b:s10+s9] =	stream.linear.scatter [tilespmem:s18], [sflag:$0x3], $0x2800, $0x38;
	[tilespmem:$0xA200] =	vst v63  }
0x5c: {  	s0 =	sshrl.u32 s1, $0x3  }
0x5d: {  	s10 =	sadd.s32 s6, s0  }
0x5e: {  	[tilespmem:s9], [sflag:$0x5] =	stream.linear.gather [hbm4b:s10+s9], $0x50, $0x38;
	[tilespmem:$0xA200] =	vst v63  }
0x5f: {  	_ =	swait.ge [sflag:s15], $0x50  }
0x60: {  	[sflag:s15] =	ssyncset.done $0x0  }
0x61: {  	s0 =	sadd.s32 s7, s0;
	[sflag:s15] =	ssyncadd.s32 $0xFFFFFFB0  }
0x62: {  	[tilespmem:s16], [sflag:$0x5] =	stream.linear.gather [hbm4b:s0+s9], $0x50, $0x38;
	[tilespmem:$0xA200] =	vst v63  }
0x63: {  	_ =	swait.ge [sflag:s15], $0x50  }
0x64: {  	[sflag:s15] =	ssyncset.done $0x0  }
0x65: {  	[sflag:s15] =	ssyncadd.s32 $0xFFFFFFB0  }
0x66: {  	_ =	swait.ge [sflag:s25], $0x2800  }
0x67: {  	[sflag:s25] =	ssyncset.done $0x0  }
0x68: {  	[sflag:s25] =	ssyncadd.s32 $0xFFFFD800  }
0x69: {  	[tilespmem:s18], [sflag:$0x1] =	stream.indirect.gather [hbm4b:s3+s17], $0x80, s9, s17, $0xb8;
	[tilespmem:$0xA200] =	vst v63  }
0x6a: {  	_ = 	snop  }
0x6b: {  	[tilespmem:s19], [sflag:$0x1] =	stream.indirect.gather [hbm4b:s4+s17], $0x80, s16, s17, $0xb8;
	[tilespmem:$0xA200] =	vst v63  }
0x6c: {  	_ =	swait.ge [sflag:s26], $0x2800  }
0x6d: {  	[sflag:s26] =	ssyncset.done $0x0  }
0x6e: {  	[sflag:s26] =	ssyncadd.s32 $0xFFFFD800  }
0x6f: {  	_ =	swait.ge [sflag:s26], $0x2800  }
0x70: {  	[sflag:s26] =	ssyncset.done $0x0  }
0x71: {  	s0 =	simm.s32 $0x0;
	[sflag:s26] =	ssyncadd.s32 $0xFFFFD800  }
0x72: {  	v7 =	vld [tilespmem:s0+$0x7A00]  }
0x73: {  	v11 =	vld [tilespmem:s0+$0x7A10]  }
0x74: {  	v5 =	vld [tilespmem:s0+$0x7A20]  }
0x75: {  	v4 =	vld [tilespmem:s0+$0x7A30]  }
0x76: {  	v3 =	vld [tilespmem:s0+$0x7A40]  }
0x77: {  	v2 =	vld [tilespmem:s0+$0x7A50]  }
0x78: {  	v1 =	vld [tilespmem:s0+$0x7A60]  }
0x79: {  	v0 =	vld [tilespmem:s0+$0x7A70]  }
0x7a: {  	v12 =	vld [tilespmem:s0+$0x2A00]  }
0x7b: {  	v13 =	vld [tilespmem:s0+$0x2A10]  }
0x7c: {  	v10 =	vld [tilespmem:s0+$0x2A20]  }
0x7d: {  	v9 =	vld [tilespmem:s0+$0x2A30]  }
0x7e: {  	v8 =	vld [tilespmem:s0+$0x2A40]  }
0x7f: {  	v6 =	vld [tilespmem:s0+$0x2A50];
	v12 =	vadd.f32 v7, v12  }
0x80: {  	s1 =	simm.s32 $0x200;
	v11 =	vadd.f32 v11, v13;
	v7 =	vld [tilespmem:s0+$0x2A60]  }
.LBB2_5:
0x81: {  	s9 =	sshra.s32 s1, $0x2;
	p0 =	sne.s32 s1, $0x9E00;
	[tilespmem:s0+$0x2A00] =	vst v12;
	v5 =	vadd.f32 v5, v10;
	v10 =	vld [tilespmem:s0+$0x2A70]  }
0x82: {  	v12 =	vld [tilespmem:s9+$0x7A00];
	[tilespmem:s0+$0x2A10] =	vst v11;
	v4 =	vadd.f32 v4, v9  }
0x83: {  	v11 =	vld [tilespmem:s9+$0x7A10];
	[tilespmem:s0+$0x2A20] =	vst v5;
	v3 =	vadd.f32 v3, v8  }
0x84: {  	v5 =	vld [tilespmem:s9+$0x7A20];
	[tilespmem:s0+$0x2A30] =	vst v4;
	v2 =	vadd.f32 v2, v6  }
0x85: {  	v4 =	vld [tilespmem:s9+$0x7A30];
	[tilespmem:s0+$0x2A40] =	vst v3;
	v1 =	vadd.f32 v1, v7  }
0x86: {  	v3 =	vld [tilespmem:s9+$0x7A40];
	[tilespmem:s0+$0x2A50] =	vst v2;
	v0 =	vadd.f32 v0, v10  }
0x87: {  	v2 =	vld [tilespmem:s9+$0x7A50];
	[tilespmem:s0+$0x2A60] =	vst v1  }
0x88: {  	v1 =	vld [tilespmem:s9+$0x7A60];
	[tilespmem:s0+$0x2A70] =	vst v0;
	s0 =	smov.u32 s9  }
0x89: {  	v0 =	vld [tilespmem:s0+$0x7A70]  }
0x8a: {  	v6 =	vld [tilespmem:s0+$0x2A00]  }
0x8b: {  	v7 =	vld [tilespmem:s0+$0x2A10]  }
.Ltmp1:
0x8c: {  	v10 =	vld [tilespmem:s0+$0x2A20];
	(pc) =	sbr.rel @p0 .LBB2_5-.Ltmp1, $4  }
0x8d: {  	v9 =	vld [tilespmem:s0+$0x2A30]  }
0x8e: {  	v8 =	vld [tilespmem:s0+$0x2A40]  }
0x8f: {  	v12 =	vadd.f32 v12, v6;
	v6 =	vld [tilespmem:s0+$0x2A50]  }
0x90: {  	s1 =	sadd.s32 $0x200, s1;
	v11 =	vadd.f32 v11, v7;
	v7 =	vld [tilespmem:s0+$0x2A60]  }
0x91: {  	[tilespmem:s0+$0x2A00] =	vst v12;
	v5 =	vadd.f32 v5, v10;
	v63 =	vld [tilespmem:s0+$0x2A70]  }
0x92: {  	[tilespmem:s0+$0x2A10] =	vst v11;
	v4 =	vadd.f32 v4, v9  }
0x93: {  	s30 =	sadd.s32 $0x1, s30;
	[tilespmem:s0+$0x2A20] =	vst v5;
	v3 =	vadd.f32 v3, v8  }
0x94: {  	p0 =	sne.s32 s30, $0x3E;
	[tilespmem:s0+$0x2A30] =	vst v4;
	v2 =	vadd.f32 v2, v6  }
.Ltmp2:
0x95: {  	[tilespmem:s0+$0x2A40] =	vst v3;
	v1 =	vadd.f32 v1, v7;
	(pc) =	sbr.rel @p0 .LBB2_2-.Ltmp2, $4  }
0x96: {  	[tilespmem:s0+$0x2A50] =	vst v2;
	v0 =	vadd.f32 v0, v63  }
0x97: {  	s1 =	sshll.u32 s31, $0x4;
	[tilespmem:s0+$0x2A60] =	vst v1  }
0x98: {  	s31 =	sadd.s32 s8, s1;
	[tilespmem:s0+$0x2A70] =	vst v0  }
0x99: {  	[hbm4b:s31+s2] =	stream.linear.scatter [tilespmem:s22], [sflag:$0x4], $0x2800, $0x38;
	[tilespmem:$0xA200] =	vst v63  }
0x9a: {  	_ =	swait.ge [sflag:s24], $0x2800  }
0x9b: {  	[sflag:s24] =	ssyncset.done $0x0  }
0x9c: {  	[sflag:s24] =	ssyncadd.s32 $0xFFFFD800  }
0x9d: {  	_ =	swait.ge [sflag:s24], $0x2800  }
0x9e: {  	[sflag:s24] =	ssyncset.done $0x0  }
0x9f: {  	s0 =	simm.s32 $0x0;
	[sflag:s24] =	ssyncadd.s32 $0xFFFFD800  }
0xa0: {  	v7 =	vld [tilespmem:s0+$0x5200]  }
0xa1: {  	v11 =	vld [tilespmem:s0+$0x5210]  }
0xa2: {  	v5 =	vld [tilespmem:s0+$0x5220]  }
0xa3: {  	v4 =	vld [tilespmem:s0+$0x5230]  }
0xa4: {  	v3 =	vld [tilespmem:s0+$0x5240]  }
0xa5: {  	v2 =	vld [tilespmem:s0+$0x5250]  }
0xa6: {  	v1 =	vld [tilespmem:s0+$0x5260]  }
0xa7: {  	v0 =	vld [tilespmem:s0+$0x5270]  }
0xa8: {  	v12 =	vld [tilespmem:s0+$0x200]  }
0xa9: {  	v13 =	vld [tilespmem:s0+$0x210]  }
0xaa: {  	v10 =	vld [tilespmem:s0+$0x220]  }
0xab: {  	v9 =	vld [tilespmem:s0+$0x230]  }
0xac: {  	v8 =	vld [tilespmem:s0+$0x240]  }
0xad: {  	v6 =	vld [tilespmem:s0+$0x250];
	v12 =	vadd.f32 v7, v12  }
0xae: {  	s1 =	simm.s32 $0x200;
	v11 =	vadd.f32 v11, v13;
	v7 =	vld [tilespmem:s0+$0x260]  }
.LBB2_8:
0xaf: {  	s9 =	sshra.s32 s1, $0x2;
	p0 =	sne.s32 s1, $0x9E00;
	[tilespmem:s0+$0x200] =	vst v12;
	v5 =	vadd.f32 v5, v10;
	v10 =	vld [tilespmem:s0+$0x270]  }
0xb0: {  	v12 =	vld [tilespmem:s9+$0x5200];
	[tilespmem:s0+$0x210] =	vst v11;
	v4 =	vadd.f32 v4, v9  }
0xb1: {  	v11 =	vld [tilespmem:s9+$0x5210];
	[tilespmem:s0+$0x220] =	vst v5;
	v3 =	vadd.f32 v3, v8  }
0xb2: {  	v5 =	vld [tilespmem:s9+$0x5220];
	[tilespmem:s0+$0x230] =	vst v4;
	v2 =	vadd.f32 v2, v6  }
0xb3: {  	v4 =	vld [tilespmem:s9+$0x5230];
	[tilespmem:s0+$0x240] =	vst v3;
	v1 =	vadd.f32 v1, v7  }
0xb4: {  	v3 =	vld [tilespmem:s9+$0x5240];
	[tilespmem:s0+$0x250] =	vst v2;
	v0 =	vadd.f32 v0, v10  }
0xb5: {  	v2 =	vld [tilespmem:s9+$0x5250];
	[tilespmem:s0+$0x260] =	vst v1  }
0xb6: {  	v1 =	vld [tilespmem:s9+$0x5260];
	[tilespmem:s0+$0x270] =	vst v0;
	s0 =	smov.u32 s9  }
0xb7: {  	v0 =	vld [tilespmem:s0+$0x5270]  }
0xb8: {  	v6 =	vld [tilespmem:s0+$0x200]  }
0xb9: {  	v7 =	vld [tilespmem:s0+$0x210]  }
.Ltmp3:
0xba: {  	v10 =	vld [tilespmem:s0+$0x220];
	(pc) =	sbr.rel @p0 .LBB2_8-.Ltmp3, $4  }
0xbb: {  	v9 =	vld [tilespmem:s0+$0x230]  }
0xbc: {  	v8 =	vld [tilespmem:s0+$0x240]  }
0xbd: {  	v12 =	vadd.f32 v12, v6;
	v6 =	vld [tilespmem:s0+$0x250]  }
0xbe: {  	s1 =	sadd.s32 $0x200, s1;
	v11 =	vadd.f32 v11, v7;
	v7 =	vld [tilespmem:s0+$0x260]  }
0xbf: {  	[tilespmem:s0+$0x200] =	vst v12;
	v5 =	vadd.f32 v5, v10;
	v63 =	vld [tilespmem:s0+$0x270]  }
0xc0: {  	[tilespmem:s0+$0x210] =	vst v11;
	v4 =	vadd.f32 v4, v9  }
0xc1: {  	[tilespmem:s0+$0x220] =	vst v5;
	v3 =	vadd.f32 v3, v8  }
0xc2: {  	[tilespmem:s0+$0x230] =	vst v4;
	v2 =	vadd.f32 v2, v6  }
0xc3: {  	[tilespmem:s0+$0x240] =	vst v3;
	v1 =	vadd.f32 v1, v7  }
0xc4: {  	[tilespmem:s0+$0x250] =	vst v2;
	v0 =	vadd.f32 v0, v63  }
0xc5: {  	[tilespmem:s0+$0x260] =	vst v1  }
0xc6: {  	s29 =	sadd.s32 $0x1, s29;
	[tilespmem:s0+$0x270] =	vst v0  }
0xc7: {  	[hbm4b:s13+s2] =	stream.linear.scatter [tilespmem:s18], [sflag:$0x3], $0x2800, $0x38;
	[tilespmem:$0xA200] =	vst v63  }
0xc8: {  	p0 =	sne.s32 s29, s14;
	_ =	swait.ge [sflag:s28], $0x2800  }
.Ltmp4:
0xc9: {  	[sflag:s28] =	ssyncset.done $0x0;
	(pc) =	sbr.rel @p0 .LBB2_1-.Ltmp4, $4  }
0xca: {  	[sflag:s28] =	ssyncadd.s32 $0xFFFFD800  }
0xcb: {  	_ =	swait.ge [sflag:s25], $0x2800  }
0xcc: {  	[sflag:s25] =	ssyncset.done $0x0  }
0xcd: {  	[sflag:s25] =	ssyncadd.s32 $0xFFFFD800  }
0xce: {  	_ =	sfence.sel $0x180000  }
0xcf: {  	[bflag:$0x0] =	sbarrier.arrive $0xFFFF  }
0xd0: {  	_ =	strace $0x90000047  }
0xd1: {  	s0 =	stileid.u32;
	[bflag:$0x2] =	sbarrier.arrive $0xFFFF  }
0xd2: {  	p0 =	sne.s32 s0, $0x0;
	s0 =	rddreg [dreg:$0x1]  }
0xd3: {  	s0 =	sadd.s32 @!p0 $0x100000, s0  }
0xd4: {  	[sflag:s0] =	ssyncadd.tile.s32 @!p0 $0x1;
	_ =	shalt  }
.Lfunc_end2:
_tile_overlayer_lowered:
.L_overlay_start_2:
0xd5: {  	(tag) =	ssettag $0x2  }
0xd6: {  	s0 =	rddreg [dreg:$0x0];
	s2 =	stileid.u32  }
0xd7: {  	s1 =	rddreg [dreg:$0x1];
	p0 =	sne.s32 s2, $0x0  }
0xd8: {  	s3 =	rddreg [dreg:$0x2];
	[bflag:$0x3] =	sbarrier.arrive $0xFFFF;
	s2 =	simm.s32 @!p0 $0x1C05  }
0xd9: {  	[timem:s3], [sflag:s2] =	dma.local @!p0 [hbm:s0], s1  }
0xda: {  	s0 =	simm.s32 @!p0 $0x5  }
0xdb: {  	_ =	swait.ge @!p0 [sflag:s0], s1  }
0xdc: {  	s1 =	ssub.s32 @!p0 $0x0, s1;
	[sflag:s0] =	ssyncset.done @!p0 $0x0  }
0xdd: {  	[sflag:s0] =	ssyncadd.s32 @!p0 s1  }
0xde: {  	[bflag:$0x3] =	sbarrier.arrive $0xFFFF  }
0xdf: {  	_ =	shalt  }

</sc_bundles>
